<compile_context>
chip_gen: v7x
topology: tpu7x:2x2x1
jax: 0.10.2.dev20260603
libtpu: 0.0.44.dev20260713+nightly
codegen_flags: <defaults>
</compile_context>

<pallas_src>
import functools

import jax
import jax.numpy as jnp
from jax import lax
from jax.experimental import pallas as pl
from jax.experimental.pallas import tpu as pltpu
from jax.experimental.pallas import tpu_sc as plsc

D = 1024
L = 16
NC, NS = 2, 16
NW = NC * NS
CHUNK = 16
BLK = 1024


def _gather_body(tok_idx_hbm, tok_tab, out_hbm,
                 tok_idx_v, t0_v, t1_v, sem_g0, sem_g1, sem_o0, sem_o1):
  per_w = tok_idx_hbm.shape[0] // NW
  n_chunks = per_w // CHUNK
  wid = lax.axis_index("s") * NC + lax.axis_index("c")
  base = wid * per_w

  pltpu.sync_copy(tok_idx_hbm.at[pl.ds(base, per_w)], tok_idx_v)

  bufs = ((t0_v, sem_g0, sem_o0), (t1_v, sem_g1, sem_o1))

  def issue_gather(rb, t_v, sem):
    pltpu.async_copy(tok_tab.at[tok_idx_v.at[pl.ds(rb, CHUNK)]], t_v, sem)

  def drain_gather(rb, t_v, sem):
    pltpu.make_async_copy(tok_tab.at[tok_idx_v.at[pl.ds(rb, CHUNK)]], t_v,
                          sem).wait()

  issue_gather(0, t0_v, sem_g0)

  def pair_body(i, _):
    for b in (0, 1):
      t_v, sem_g, sem_o = bufs[b]
      tn_v, sem_gn, sem_on = bufs[1 - b]
      c = i * 2 + b
      rb = c * CHUNK

      drain_gather(rb, t_v, sem_g)

      @pl.when(c >= 1)
      def _():
        pltpu.make_async_copy(tn_v, out_hbm.at[pl.ds(base + rb - CHUNK,
                                                     CHUNK)], sem_on).wait()

      @pl.when(c + 1 < n_chunks)
      def _():
        issue_gather(rb + CHUNK, tn_v, sem_gn)

      pltpu.async_copy(t_v, out_hbm.at[pl.ds(base + rb, CHUNK)], sem_o)
    return ()

  lax.fori_loop(0, n_chunks // 2, pair_body, (), unroll=False)

  pltpu.make_async_copy(t1_v, out_hbm.at[pl.ds(base + per_w - CHUNK, CHUNK)],
                        sem_o1).wait()


def _ln_math(g_ref, pos_ref, segf_ref, seg_tab_ref, gamma_ref, beta_ref,
             out_ref):
  st0 = seg_tab_ref[0, :]
  st1 = seg_tab_ref[1, :]
  segf = segf_ref[...]
  x = g_ref[...] + pos_ref[...] + (st0[None, :] + segf * (st1 - st0)[None, :])
  mean = jnp.mean(x, axis=-1, keepdims=True)
  xc = x - mean
  var = jnp.mean(xc * xc, axis=-1, keepdims=True)
  inv = lax.rsqrt(var + 1e-5)
  out_ref[...] = xc * inv * gamma_ref[...] + beta_ref[...]


def _ln_body(g_ref, pos_ref, segf_ref, seg_tab_ref, gamma_ref, beta_ref,
             out_ref):
  _ln_math(g_ref, pos_ref, segf_ref, seg_tab_ref, gamma_ref, beta_ref,
           out_ref)


def _ln_body_acc(g_ref, pos_ref, segf_ref, seg_tab_ref, gamma_ref, beta_ref,
                 prev_ref, out_ref):
  del prev_ref
  _ln_math(g_ref, pos_ref, segf_ref, seg_tab_ref, gamma_ref, beta_ref,
           out_ref)


@jax.jit
def kernel(input_ids, segment_ids, token_table, position_table, segment_table,
           ln_gamma, ln_beta):
  b, s = input_ids.shape
  t = b * s
  tok_idx = input_ids.reshape(t).astype(jnp.int32)
  segf = segment_ids.reshape(t, 1).astype(jnp.float32)

  mesh = plsc.VectorSubcoreMesh(core_axis_name="c", subcore_axis_name="s",
                                num_cores=NC, num_subcores=NS)
  half = t // 2
  per_w = half // NW
  gather_rows = functools.partial(
      pl.kernel,
      out_type=jax.ShapeDtypeStruct((half, D), jnp.float32),
      mesh=mesh,
      compiler_params=pltpu.CompilerParams(needs_layout_passes=False),
      scratch_types=[
          pltpu.VMEM((per_w,), jnp.int32),
          pltpu.VMEM((CHUNK, D), jnp.float32),
          pltpu.VMEM((CHUNK, D), jnp.float32),
          pltpu.SemaphoreType.DMA,
          pltpu.SemaphoreType.DMA,
          pltpu.SemaphoreType.DMA,
          pltpu.SemaphoreType.DMA,
      ],
  )(_gather_body)
  g0 = gather_rows(tok_idx[:half], token_table)
  g1 = gather_rows(tok_idx[half:], token_table)

  hb = b // 2
  sb = s // BLK
  gamma2 = ln_gamma.reshape(1, D)
  beta2 = ln_beta.reshape(1, D)

  common_in_specs = [
      pl.BlockSpec((BLK, D), lambda i, j: (j * sb + i, 0)),
      pl.BlockSpec((BLK, D), lambda i, j: (i, 0)),
      pl.BlockSpec((BLK, 1), lambda i, j: (j * sb + i, 0)),
      pl.BlockSpec((2, D), lambda i, j: (0, 0)),
      pl.BlockSpec((1, D), lambda i, j: (0, 0)),
      pl.BlockSpec((1, D), lambda i, j: (0, 0)),
  ]
  o0 = pl.pallas_call(
      _ln_body,
      grid=(sb, hb),
      in_specs=common_in_specs,
      out_specs=pl.BlockSpec((BLK, D), lambda i, j: (j * sb + i, 0)),
      out_shape=jax.ShapeDtypeStruct((t, D), jnp.float32),
  )(g0, position_table, segf[:half], segment_table, gamma2, beta2)
  hsb = hb * sb
  out = pl.pallas_call(
      _ln_body_acc,
      grid=(sb, hb),
      in_specs=common_in_specs + [pl.BlockSpec((BLK, D), lambda i, j: (0, 0))],
      out_specs=pl.BlockSpec((BLK, D), lambda i, j: (hsb + j * sb + i, 0)),
      out_shape=jax.ShapeDtypeStruct((t, D), jnp.float32),
      input_output_aliases={6: 0},
  )(g1, position_table, segf[half:], segment_table, gamma2, beta2, o0)
  return out.reshape(b, s, D)

# --- scband reference (transcript-rebuilt; emitter-appended) ---
"""Pipeline reference for scband-bertembedding-37830071943826 (READ-ONLY COPY).

The authoritative reference and input builder live on the scoring server;
editing this copy changes nothing except your own understanding.
"""

import jax, jax.numpy as jnp
import numpy as np

VOCAB = 100000
D_MODEL = 1024
MAX_SEQ = 2048
B, S = 4, 2048

def setup_inputs(seed: int = 0) -> dict:
    key = jax.random.key(seed)
    k1, k2, k3, k4, k5, k6 = jax.random.split(key, 6)
    input_ids = jax.random.randint(k1, (B, S), 0, VOCAB, dtype=jnp.int64 if jax.config.jax_enable_x64 else jnp.int32)
    segment_ids = jax.random.randint(k2, (B, S), 0, 2, dtype=jnp.int64 if jax.config.jax_enable_x64 else jnp.int32)
    token_table = jax.random.normal(k3, (VOCAB, D_MODEL), dtype=jnp.float32) * 0.02
    position_table = jax.random.normal(k4, (MAX_SEQ, D_MODEL), dtype=jnp.float32) * 0.02
    segment_table = jax.random.normal(k5, (2, D_MODEL), dtype=jnp.float32) * 0.02
    ln_gamma = jnp.ones((D_MODEL,), dtype=jnp.float32)
    ln_beta = jnp.zeros((D_MODEL,), dtype=jnp.float32)
    return {"input_ids": input_ids, "segment_ids": segment_ids,
            "token_table": token_table, "position_table": position_table,
            "segment_table": segment_table, "ln_gamma": ln_gamma, "ln_beta": ln_beta}

def _layer_norm(x, gamma, beta, eps=1e-5):
    mean = jnp.mean(x, axis=-1, keepdims=True)
    var = jnp.mean(jnp.square(x - mean), axis=-1, keepdims=True)
    return (x - mean) / jnp.sqrt(var + eps) * gamma + beta

def reference(input_ids, segment_ids, token_table, position_table, segment_table, ln_gamma, ln_beta):
    seq_length = input_ids.shape[1]
    position_ids = jnp.arange(seq_length, dtype=input_ids.dtype)
    position_ids = jnp.broadcast_to(position_ids[None, :], input_ids.shape)
    token_embeddings = jnp.take(token_table, input_ids, axis=0)
    position_embeddings = jnp.take(position_table, position_ids, axis=0)
    segment_embeddings = jnp.take(segment_table, segment_ids, axis=0)
    embeddings = token_embeddings + position_embeddings + segment_embeddings
    embeddings = _layer_norm(embeddings, ln_gamma, ln_beta)
    # dropout is identity in eval mode
    return embeddings

if __name__ == "__main__":
    import jax
    _d = setup_inputs()
    print(jax.jit(kernel)(*tuple(_d.values())))

</pallas_src>

<mosaic_0001>
#map = affine_map<(d0, d1) -> (0)>
#map1 = affine_map<(d0, d1) -> (0, 0)>
module attributes {stable_mosaic.version = 14 : i64} {
  func.func @_gather_body(%arg0: i32, %arg1: i32, %arg2: memref<4096xi32, #tpu.memory_space<hbm>>, %arg3: memref<100000x1024xf32, #tpu.memory_space<hbm>>, %arg4: memref<4096x1024xf32, #tpu.memory_space<hbm>>, %arg5: memref<128xi32, #tpu.memory_space<vmem>>, %arg6: memref<16x1024xf32, #tpu.memory_space<vmem>>, %arg7: memref<16x1024xf32, #tpu.memory_space<vmem>>, %arg8: memref<!tpu.dma_semaphore, #tpu.memory_space<semaphore_mem>>, %arg9: memref<!tpu.dma_semaphore, #tpu.memory_space<semaphore_mem>>, %arg10: memref<!tpu.dma_semaphore, #tpu.memory_space<semaphore_mem>>, %arg11: memref<!tpu.dma_semaphore, #tpu.memory_space<semaphore_mem>>) attributes {dimension_semantics = [#tpu.dimension_semantics<core_parallel>, #tpu.dimension_semantics<subcore_parallel>], iteration_bounds = array<i64: 2, 16>, scalar_prefetch = 0 : i64, scratch_operands = 7 : i64, tpu.core_type = #tpu.core_type<sc_vector_subcore>, window_params = [{transform_indices = #map}, {transform_indices = #map1}, {transform_indices = #map1}]} {
    %mul3A = arith.constant 2 : i32
    %mul3A_0 = arith.muli %arg1, %mul3A : i32
    %add3A = arith.addi %mul3A_0, %arg0 : i32
    %mul3A_1 = arith.constant 128 : i32
    %mul3A_2 = arith.muli %add3A, %mul3A_1 : i32
    "tpu.region"() ({
      %run_scoped3A = tpu.sem_alloc : memref<!tpu.dma_semaphore, #tpu.memory_space<semaphore_mem>>
      %dma_start3A_17 = tpu.memref_slice %arg2[%mul3A_2] : memref<4096xi32, #tpu.memory_space<hbm>> -> memref<128xi32, #tpu.memory_space<hbm>>
      %dma_start3A_18 = tpu.memref_slice %arg2[%mul3A_2] : memref<4096xi32, #tpu.memory_space<hbm>> -> memref<128xi32, #tpu.memory_space<hbm>>
      tpu.enqueue_dma source(%dma_start3A_18 : memref<128xi32, #tpu.memory_space<hbm>>) target(%arg5 : memref<128xi32, #tpu.memory_space<vmem>>) target_semaphore(%run_scoped3A : memref<!tpu.dma_semaphore, #tpu.memory_space<semaphore_mem>>)
      %dma_wait3A_19 = tpu.memref_slice %arg2[%mul3A_2] : memref<4096xi32, #tpu.memory_space<hbm>> -> memref<128xi32, #tpu.memory_space<hbm>>
      %dma_wait3A_20 = tpu.memref_slice %arg2[%mul3A_2] : memref<4096xi32, #tpu.memory_space<hbm>> -> memref<128xi32, #tpu.memory_space<hbm>>
      tpu.wait_dma2 semaphore(%run_scoped3A : memref<!tpu.dma_semaphore, #tpu.memory_space<semaphore_mem>>) src(%dma_wait3A_20 : memref<128xi32, #tpu.memory_space<hbm>>) dst(%arg5 : memref<128xi32, #tpu.memory_space<vmem>>)
      tpu.yield
    }) : () -> ()
    %dma_start3A = arith.constant 0 : i32
    %dma_start3A_3 = tpu.memref_slice %arg5[%dma_start3A] : memref<128xi32, #tpu.memory_space<vmem>> -> memref<16xi32, #tpu.memory_space<vmem>>
    %dma_start3A_4 = arith.constant 0 : i32
    %dma_start3A_5 = arith.constant 0 : i32
    %dma_start3A_6 = tpu.memref_slice %arg3[%dma_start3A_4, %dma_start3A_5] : memref<100000x1024xf32, #tpu.memory_space<hbm>> -> memref<100000x1024xf32, #tpu.memory_space<hbm>>
    tpu.enqueue_indirect_dma source(%dma_start3A_6 : memref<100000x1024xf32, #tpu.memory_space<hbm>>) target(%arg6 : memref<16x1024xf32, #tpu.memory_space<vmem>>) offsets(%dma_start3A_3 : memref<16xi32, #tpu.memory_space<vmem>>) semaphore(%arg8 : memref<!tpu.dma_semaphore, #tpu.memory_space<semaphore_mem>>)
    %scan3A = arith.constant 0 : i32
    %scan3A_7 = arith.constant 4 : i32
    %scan3A_8 = arith.addi %scan3A, %scan3A_7 : i32
    %scan3A_9 = arith.constant 1 : i32
    scf.for %scan3A_17 = %scan3A to %scan3A_8 step %scan3A_9  : i32 {
      %mul3A_18 = arith.constant 2 : i32
      %mul3A_19 = arith.muli %scan3A_17, %mul3A_18 : i32
      %add3A_20 = arith.constant 0 : i32
      %add3A_21 = arith.addi %mul3A_19, %add3A_20 : i32
      %mul3A_22 = arith.constant 16 : i32
      %mul3A_23 = arith.muli %add3A_21, %mul3A_22 : i32
      %dma_wait3A_24 = tpu.memref_slice %arg5[%mul3A_23] : memref<128xi32, #tpu.memory_space<vmem>> -> memref<16xi32, #tpu.memory_space<vmem>>
      %dma_wait3A_25 = arith.constant 0 : i32
      %dma_wait3A_26 = arith.constant 0 : i32
      %dma_wait3A_27 = tpu.memref_slice %arg3[%dma_wait3A_25, %dma_wait3A_26] : memref<100000x1024xf32, #tpu.memory_space<hbm>> -> memref<100000x1024xf32, #tpu.memory_space<hbm>>
      tpu.wait_indirect_dma semaphore(%arg8 : memref<!tpu.dma_semaphore, #tpu.memory_space<semaphore_mem>>) src(%dma_wait3A_27 : memref<100000x1024xf32, #tpu.memory_space<hbm>>) dst(%arg6 : memref<16x1024xf32, #tpu.memory_space<vmem>>)
      %ge3A = arith.constant 1 : i32
      %ge3A_28 = arith.cmpi sge, %add3A_21, %ge3A : i32
      %convert_element_type3A = arith.extui %ge3A_28 : i1 to i32
      %cond3A = arith.constant 0 : i32
      %cond3A_29 = arith.cmpi ne, %convert_element_type3A, %cond3A : i32
      scf.if %cond3A_29 {
        %add3A_68 = arith.addi %mul3A_2, %mul3A_23 : i32
        %sub3A_69 = arith.constant 16 : i32
        %sub3A_70 = arith.subi %add3A_68, %sub3A_69 : i32
        %dma_wait3A_71 = arith.constant 0 : i32
        %dma_wait3A_72 = tpu.memref_slice %arg4[%sub3A_70, %dma_wait3A_71] : memref<4096x1024xf32, #tpu.memory_space<hbm>> -> memref<16x1024xf32, #tpu.memory_space<hbm>>
        %dma_wait3A_73 = arith.constant 0 : i32
        %dma_wait3A_74 = tpu.memref_slice %arg4[%sub3A_70, %dma_wait3A_73] : memref<4096x1024xf32, #tpu.memory_space<hbm>> -> memref<16x1024xf32, #tpu.memory_space<hbm>>
        tpu.wait_dma2 semaphore(%arg11 : memref<!tpu.dma_semaphore, #tpu.memory_space<semaphore_mem>>) src(%arg7 : memref<16x1024xf32, #tpu.memory_space<vmem>>) dst(%dma_wait3A_74 : memref<16x1024xf32, #tpu.memory_space<hbm>>)
      } else {
      }
      %add3A_30 = arith.constant 1 : i32
      %add3A_31 = arith.addi %add3A_21, %add3A_30 : i32
      %lt3A = arith.constant 8 : i32
      %lt3A_32 = arith.cmpi slt, %add3A_31, %lt3A : i32
      %convert_element_type3A_33 = arith.extui %lt3A_32 : i1 to i32
      %cond3A_34 = arith.constant 0 : i32
      %cond3A_35 = arith.cmpi ne, %convert_element_type3A_33, %cond3A_34 : i32
      scf.if %cond3A_35 {
        %add3A_68 = arith.constant 16 : i32
        %add3A_69 = arith.addi %mul3A_23, %add3A_68 : i32
        %dma_start3A_70 = tpu.memref_slice %arg5[%add3A_69] : memref<128xi32, #tpu.memory_space<vmem>> -> memref<16xi32, #tpu.memory_space<vmem>>
        %dma_start3A_71 = arith.constant 0 : i32
        %dma_start3A_72 = arith.constant 0 : i32
        %dma_start3A_73 = tpu.memref_slice %arg3[%dma_start3A_71, %dma_start3A_72] : memref<100000x1024xf32, #tpu.memory_space<hbm>> -> memref<100000x1024xf32, #tpu.memory_space<hbm>>
        tpu.enqueue_indirect_dma source(%dma_start3A_73 : memref<100000x1024xf32, #tpu.memory_space<hbm>>) target(%arg7 : memref<16x1024xf32, #tpu.memory_space<vmem>>) offsets(%dma_start3A_70 : memref<16xi32, #tpu.memory_space<vmem>>) semaphore(%arg9 : memref<!tpu.dma_semaphore, #tpu.memory_space<semaphore_mem>>)
      } else {
      }
      %add3A_36 = arith.addi %mul3A_2, %mul3A_23 : i32
      %dma_start3A_37 = arith.constant 0 : i32
      %dma_start3A_38 = tpu.memref_slice %arg4[%add3A_36, %dma_start3A_37] : memref<4096x1024xf32, #tpu.memory_space<hbm>> -> memref<16x1024xf32, #tpu.memory_space<hbm>>
      %dma_start3A_39 = arith.constant 0 : i32
      %dma_start3A_40 = tpu.memref_slice %arg4[%add3A_36, %dma_start3A_39] : memref<4096x1024xf32, #tpu.memory_space<hbm>> -> memref<16x1024xf32, #tpu.memory_space<hbm>>
      tpu.enqueue_dma source(%arg6 : memref<16x1024xf32, #tpu.memory_space<vmem>>) target(%dma_start3A_40 : memref<16x1024xf32, #tpu.memory_space<hbm>>) target_semaphore(%arg10 : memref<!tpu.dma_semaphore, #tpu.memory_space<semaphore_mem>>)
      %mul3A_41 = arith.constant 2 : i32
      %mul3A_42 = arith.muli %scan3A_17, %mul3A_41 : i32
      %add3A_43 = arith.constant 1 : i32
      %add3A_44 = arith.addi %mul3A_42, %add3A_43 : i32
      %mul3A_45 = arith.constant 16 : i32
      %mul3A_46 = arith.muli %add3A_44, %mul3A_45 : i32
      %dma_wait3A_47 = tpu.memref_slice %arg5[%mul3A_46] : memref<128xi32, #tpu.memory_space<vmem>> -> memref<16xi32, #tpu.memory_space<vmem>>
      %dma_wait3A_48 = arith.constant 0 : i32
      %dma_wait3A_49 = arith.constant 0 : i32
      %dma_wait3A_50 = tpu.memref_slice %arg3[%dma_wait3A_48, %dma_wait3A_49] : memref<100000x1024xf32, #tpu.memory_space<hbm>> -> memref<100000x1024xf32, #tpu.memory_space<hbm>>
      tpu.wait_indirect_dma semaphore(%arg9 : memref<!tpu.dma_semaphore, #tpu.memory_space<semaphore_mem>>) src(%dma_wait3A_50 : memref<100000x1024xf32, #tpu.memory_space<hbm>>) dst(%arg7 : memref<16x1024xf32, #tpu.memory_space<vmem>>)
      %ge3A_51 = arith.constant 1 : i32
      %ge3A_52 = arith.cmpi sge, %add3A_44, %ge3A_51 : i32
      %convert_element_type3A_53 = arith.extui %ge3A_52 : i1 to i32
      %cond3A_54 = arith.constant 0 : i32
      %cond3A_55 = arith.cmpi ne, %convert_element_type3A_53, %cond3A_54 : i32
      scf.if %cond3A_55 {
        %add3A_68 = arith.addi %mul3A_2, %mul3A_46 : i32
        %sub3A_69 = arith.constant 16 : i32
        %sub3A_70 = arith.subi %add3A_68, %sub3A_69 : i32
        %dma_wait3A_71 = arith.constant 0 : i32
        %dma_wait3A_72 = tpu.memref_slice %arg4[%sub3A_70, %dma_wait3A_71] : memref<4096x1024xf32, #tpu.memory_space<hbm>> -> memref<16x1024xf32, #tpu.memory_space<hbm>>
        %dma_wait3A_73 = arith.constant 0 : i32
        %dma_wait3A_74 = tpu.memref_slice %arg4[%sub3A_70, %dma_wait3A_73] : memref<4096x1024xf32, #tpu.memory_space<hbm>> -> memref<16x1024xf32, #tpu.memory_space<hbm>>
        tpu.wait_dma2 semaphore(%arg10 : memref<!tpu.dma_semaphore, #tpu.memory_space<semaphore_mem>>) src(%arg6 : memref<16x1024xf32, #tpu.memory_space<vmem>>) dst(%dma_wait3A_74 : memref<16x1024xf32, #tpu.memory_space<hbm>>)
      } else {
      }
      %add3A_56 = arith.constant 1 : i32
      %add3A_57 = arith.addi %add3A_44, %add3A_56 : i32
      %lt3A_58 = arith.constant 8 : i32
      %lt3A_59 = arith.cmpi slt, %add3A_57, %lt3A_58 : i32
      %convert_element_type3A_60 = arith.extui %lt3A_59 : i1 to i32
      %cond3A_61 = arith.constant 0 : i32
      %cond3A_62 = arith.cmpi ne, %convert_element_type3A_60, %cond3A_61 : i32
      scf.if %cond3A_62 {
        %add3A_68 = arith.constant 16 : i32
        %add3A_69 = arith.addi %mul3A_46, %add3A_68 : i32
        %dma_start3A_70 = tpu.memref_slice %arg5[%add3A_69] : memref<128xi32, #tpu.memory_space<vmem>> -> memref<16xi32, #tpu.memory_space<vmem>>
        %dma_start3A_71 = arith.constant 0 : i32
        %dma_start3A_72 = arith.constant 0 : i32
        %dma_start3A_73 = tpu.memref_slice %arg3[%dma_start3A_71, %dma_start3A_72] : memref<100000x1024xf32, #tpu.memory_space<hbm>> -> memref<100000x1024xf32, #tpu.memory_space<hbm>>
        tpu.enqueue_indirect_dma source(%dma_start3A_73 : memref<100000x1024xf32, #tpu.memory_space<hbm>>) target(%arg6 : memref<16x1024xf32, #tpu.memory_space<vmem>>) offsets(%dma_start3A_70 : memref<16xi32, #tpu.memory_space<vmem>>) semaphore(%arg8 : memref<!tpu.dma_semaphore, #tpu.memory_space<semaphore_mem>>)
      } else {
      }
      %add3A_63 = arith.addi %mul3A_2, %mul3A_46 : i32
      %dma_start3A_64 = arith.constant 0 : i32
      %dma_start3A_65 = tpu.memref_slice %arg4[%add3A_63, %dma_start3A_64] : memref<4096x1024xf32, #tpu.memory_space<hbm>> -> memref<16x1024xf32, #tpu.memory_space<hbm>>
      %dma_start3A_66 = arith.constant 0 : i32
      %dma_start3A_67 = tpu.memref_slice %arg4[%add3A_63, %dma_start3A_66] : memref<4096x1024xf32, #tpu.memory_space<hbm>> -> memref<16x1024xf32, #tpu.memory_space<hbm>>
      tpu.enqueue_dma source(%arg7 : memref<16x1024xf32, #tpu.memory_space<vmem>>) target(%dma_start3A_67 : memref<16x1024xf32, #tpu.memory_space<hbm>>) target_semaphore(%arg11 : memref<!tpu.dma_semaphore, #tpu.memory_space<semaphore_mem>>)
    }
    %scan3A_10 = arith.constant 4 : i32
    %add3A_11 = arith.constant 128 : i32
    %add3A_12 = arith.addi %mul3A_2, %add3A_11 : i32
    %sub3A = arith.constant 16 : i32
    %sub3A_13 = arith.subi %add3A_12, %sub3A : i32
    %dma_wait3A = arith.constant 0 : i32
    %dma_wait3A_14 = tpu.memref_slice %arg4[%sub3A_13, %dma_wait3A] : memref<4096x1024xf32, #tpu.memory_space<hbm>> -> memref<16x1024xf32, #tpu.memory_space<hbm>>
    %dma_wait3A_15 = arith.constant 0 : i32
    %dma_wait3A_16 = tpu.memref_slice %arg4[%sub3A_13, %dma_wait3A_15] : memref<4096x1024xf32, #tpu.memory_space<hbm>> -> memref<16x1024xf32, #tpu.memory_space<hbm>>
    tpu.wait_dma2 semaphore(%arg11 : memref<!tpu.dma_semaphore, #tpu.memory_space<semaphore_mem>>) src(%arg7 : memref<16x1024xf32, #tpu.memory_space<vmem>>) dst(%dma_wait3A_16 : memref<16x1024xf32, #tpu.memory_space<hbm>>)
    return
  }
}

#map = affine_map<(d0, d1) -> (0)>
#map1 = affine_map<(d0, d1) -> (0, 0)>
module attributes {stable_mosaic.version = 14 : i64} {
  func.func @_gather_body(%arg0: i32, %arg1: i32, %arg2: memref<4096xi32, #tpu.memory_space<hbm>>, %arg3: memref<100000x1024xf32, #tpu.memory_space<hbm>>, %arg4: memref<4096x1024xf32, #tpu.memory_space<hbm>>, %arg5: memref<128xi32, #tpu.memory_space<vmem>>, %arg6: memref<16x1024xf32, #tpu.memory_space<vmem>>, %arg7: memref<16x1024xf32, #tpu.memory_space<vmem>>, %arg8: memref<!tpu.dma_semaphore, #tpu.memory_space<semaphore_mem>>, %arg9: memref<!tpu.dma_semaphore, #tpu.memory_space<semaphore_mem>>, %arg10: memref<!tpu.dma_semaphore, #tpu.memory_space<semaphore_mem>>, %arg11: memref<!tpu.dma_semaphore, #tpu.memory_space<semaphore_mem>>) attributes {dimension_semantics = [#tpu.dimension_semantics<core_parallel>, #tpu.dimension_semantics<subcore_parallel>], iteration_bounds = array<i64: 2, 16>, scalar_prefetch = 0 : i64, scratch_operands = 7 : i64, tpu.core_type = #tpu.core_type<sc_vector_subcore>, window_params = [{transform_indices = #map}, {transform_indices = #map1}, {transform_indices = #map1}]} {
    %mul3A = arith.constant 2 : i32
    %mul3A_0 = arith.muli %arg1, %mul3A : i32
    %add3A = arith.addi %mul3A_0, %arg0 : i32
    %mul3A_1 = arith.constant 128 : i32
    %mul3A_2 = arith.muli %add3A, %mul3A_1 : i32
    "tpu.region"() ({
      %run_scoped3A = tpu.sem_alloc : memref<!tpu.dma_semaphore, #tpu.memory_space<semaphore_mem>>
      %dma_start3A_17 = tpu.memref_slice %arg2[%mul3A_2] : memref<4096xi32, #tpu.memory_space<hbm>> -> memref<128xi32, #tpu.memory_space<hbm>>
      %dma_start3A_18 = tpu.memref_slice %arg2[%mul3A_2] : memref<4096xi32, #tpu.memory_space<hbm>> -> memref<128xi32, #tpu.memory_space<hbm>>
      tpu.enqueue_dma source(%dma_start3A_18 : memref<128xi32, #tpu.memory_space<hbm>>) target(%arg5 : memref<128xi32, #tpu.memory_space<vmem>>) target_semaphore(%run_scoped3A : memref<!tpu.dma_semaphore, #tpu.memory_space<semaphore_mem>>)
      %dma_wait3A_19 = tpu.memref_slice %arg2[%mul3A_2] : memref<4096xi32, #tpu.memory_space<hbm>> -> memref<128xi32, #tpu.memory_space<hbm>>
      %dma_wait3A_20 = tpu.memref_slice %arg2[%mul3A_2] : memref<4096xi32, #tpu.memory_space<hbm>> -> memref<128xi32, #tpu.memory_space<hbm>>
      tpu.wait_dma2 semaphore(%run_scoped3A : memref<!tpu.dma_semaphore, #tpu.memory_space<semaphore_mem>>) src(%dma_wait3A_20 : memref<128xi32, #tpu.memory_space<hbm>>) dst(%arg5 : memref<128xi32, #tpu.memory_space<vmem>>)
      tpu.yield
    }) : () -> ()
    %dma_start3A = arith.constant 0 : i32
    %dma_start3A_3 = tpu.memref_slice %arg5[%dma_start3A] : memref<128xi32, #tpu.memory_space<vmem>> -> memref<16xi32, #tpu.memory_space<vmem>>
    %dma_start3A_4 = arith.constant 0 : i32
    %dma_start3A_5 = arith.constant 0 : i32
    %dma_start3A_6 = tpu.memref_slice %arg3[%dma_start3A_4, %dma_start3A_5] : memref<100000x1024xf32, #tpu.memory_space<hbm>> -> memref<100000x1024xf32, #tpu.memory_space<hbm>>
    tpu.enqueue_indirect_dma source(%dma_start3A_6 : memref<100000x1024xf32, #tpu.memory_space<hbm>>) target(%arg6 : memref<16x1024xf32, #tpu.memory_space<vmem>>) offsets(%dma_start3A_3 : memref<16xi32, #tpu.memory_space<vmem>>) semaphore(%arg8 : memref<!tpu.dma_semaphore, #tpu.memory_space<semaphore_mem>>)
    %scan3A = arith.constant 0 : i32
    %scan3A_7 = arith.constant 4 : i32
    %scan3A_8 = arith.addi %scan3A, %scan3A_7 : i32
    %scan3A_9 = arith.constant 1 : i32
    scf.for %scan3A_17 = %scan3A to %scan3A_8 step %scan3A_9  : i32 {
      %mul3A_18 = arith.constant 2 : i32
      %mul3A_19 = arith.muli %scan3A_17, %mul3A_18 : i32
      %add3A_20 = arith.constant 0 : i32
      %add3A_21 = arith.addi %mul3A_19, %add3A_20 : i32
      %mul3A_22 = arith.constant 16 : i32
      %mul3A_23 = arith.muli %add3A_21, %mul3A_22 : i32
      %dma_wait3A_24 = tpu.memref_slice %arg5[%mul3A_23] : memref<128xi32, #tpu.memory_space<vmem>> -> memref<16xi32, #tpu.memory_space<vmem>>
      %dma_wait3A_25 = arith.constant 0 : i32
      %dma_wait3A_26 = arith.constant 0 : i32
      %dma_wait3A_27 = tpu.memref_slice %arg3[%dma_wait3A_25, %dma_wait3A_26] : memref<100000x1024xf32, #tpu.memory_space<hbm>> -> memref<100000x1024xf32, #tpu.memory_space<hbm>>
      tpu.wait_indirect_dma semaphore(%arg8 : memref<!tpu.dma_semaphore, #tpu.memory_space<semaphore_mem>>) src(%dma_wait3A_27 : memref<100000x1024xf32, #tpu.memory_space<hbm>>) dst(%arg6 : memref<16x1024xf32, #tpu.memory_space<vmem>>)
      %ge3A = arith.constant 1 : i32
      %ge3A_28 = arith.cmpi sge, %add3A_21, %ge3A : i32
      %convert_element_type3A = arith.extui %ge3A_28 : i1 to i32
      %cond3A = arith.constant 0 : i32
      %cond3A_29 = arith.cmpi ne, %convert_element_type3A, %cond3A : i32
      scf.if %cond3A_29 {
        %add3A_68 = arith.addi %mul3A_2, %mul3A_23 : i32
        %sub3A_69 = arith.constant 16 : i32
        %sub3A_70 = arith.subi %add3A_68, %sub3A_69 : i32
        %dma_wait3A_71 = arith.constant 0 : i32
        %dma_wait3A_72 = tpu.memref_slice %arg4[%sub3A_70, %dma_wait3A_71] : memref<4096x1024xf32, #tpu.memory_space<hbm>> -> memref<16x1024xf32, #tpu.memory_space<hbm>>
        %dma_wait3A_73 = arith.constant 0 : i32
        %dma_wait3A_74 = tpu.memref_slice %arg4[%sub3A_70, %dma_wait3A_73] : memref<4096x1024xf32, #tpu.memory_space<hbm>> -> memref<16x1024xf32, #tpu.memory_space<hbm>>
        tpu.wait_dma2 semaphore(%arg11 : memref<!tpu.dma_semaphore, #tpu.memory_space<semaphore_mem>>) src(%arg7 : memref<16x1024xf32, #tpu.memory_space<vmem>>) dst(%dma_wait3A_74 : memref<16x1024xf32, #tpu.memory_space<hbm>>)
      } else {
      }
      %add3A_30 = arith.constant 1 : i32
      %add3A_31 = arith.addi %add3A_21, %add3A_30 : i32
      %lt3A = arith.constant 8 : i32
      %lt3A_32 = arith.cmpi slt, %add3A_31, %lt3A : i32
      %convert_element_type3A_33 = arith.extui %lt3A_32 : i1 to i32
      %cond3A_34 = arith.constant 0 : i32
      %cond3A_35 = arith.cmpi ne, %convert_element_type3A_33, %cond3A_34 : i32
      scf.if %cond3A_35 {
        %add3A_68 = arith.constant 16 : i32
        %add3A_69 = arith.addi %mul3A_23, %add3A_68 : i32
        %dma_start3A_70 = tpu.memref_slice %arg5[%add3A_69] : memref<128xi32, #tpu.memory_space<vmem>> -> memref<16xi32, #tpu.memory_space<vmem>>
        %dma_start3A_71 = arith.constant 0 : i32
        %dma_start3A_72 = arith.constant 0 : i32
        %dma_start3A_73 = tpu.memref_slice %arg3[%dma_start3A_71, %dma_start3A_72] : memref<100000x1024xf32, #tpu.memory_space<hbm>> -> memref<100000x1024xf32, #tpu.memory_space<hbm>>
        tpu.enqueue_indirect_dma source(%dma_start3A_73 : memref<100000x1024xf32, #tpu.memory_space<hbm>>) target(%arg7 : memref<16x1024xf32, #tpu.memory_space<vmem>>) offsets(%dma_start3A_70 : memref<16xi32, #tpu.memory_space<vmem>>) semaphore(%arg9 : memref<!tpu.dma_semaphore, #tpu.memory_space<semaphore_mem>>)
      } else {
      }
      %add3A_36 = arith.addi %mul3A_2, %mul3A_23 : i32
      %dma_start3A_37 = arith.constant 0 : i32
      %dma_start3A_38 = tpu.memref_slice %arg4[%add3A_36, %dma_start3A_37] : memref<4096x1024xf32, #tpu.memory_space<hbm>> -> memref<16x1024xf32, #tpu.memory_space<hbm>>
      %dma_start3A_39 = arith.constant 0 : i32
      %dma_start3A_40 = tpu.memref_slice %arg4[%add3A_36, %dma_start3A_39] : memref<4096x1024xf32, #tpu.memory_space<hbm>> -> memref<16x1024xf32, #tpu.memory_space<hbm>>
      tpu.enqueue_dma source(%arg6 : memref<16x1024xf32, #tpu.memory_space<vmem>>) target(%dma_start3A_40 : memref<16x1024xf32, #tpu.memory_space<hbm>>) target_semaphore(%arg10 : memref<!tpu.dma_semaphore, #tpu.memory_space<semaphore_mem>>)
      %mul3A_41 = arith.constant 2 : i32
      %mul3A_42 = arith.muli %scan3A_17, %mul3A_41 : i32
      %add3A_43 = arith.constant 1 : i32
      %add3A_44 = arith.addi %mul3A_42, %add3A_43 : i32
      %mul3A_45 = arith.constant 16 : i32
      %mul3A_46 = arith.muli %add3A_44, %mul3A_45 : i32
      %dma_wait3A_47 = tpu.memref_slice %arg5[%mul3A_46] : memref<128xi32, #tpu.memory_space<vmem>> -> memref<16xi32, #tpu.memory_space<vmem>>
      %dma_wait3A_48 = arith.constant 0 : i32
      %dma_wait3A_49 = arith.constant 0 : i32
      %dma_wait3A_50 = tpu.memref_slice %arg3[%dma_wait3A_48, %dma_wait3A_49] : memref<100000x1024xf32, #tpu.memory_space<hbm>> -> memref<100000x1024xf32, #tpu.memory_space<hbm>>
      tpu.wait_indirect_dma semaphore(%arg9 : memref<!tpu.dma_semaphore, #tpu.memory_space<semaphore_mem>>) src(%dma_wait3A_50 : memref<100000x1024xf32, #tpu.memory_space<hbm>>) dst(%arg7 : memref<16x1024xf32, #tpu.memory_space<vmem>>)
      %ge3A_51 = arith.constant 1 : i32
      %ge3A_52 = arith.cmpi sge, %add3A_44, %ge3A_51 : i32
      %convert_element_type3A_53 = arith.extui %ge3A_52 : i1 to i32
      %cond3A_54 = arith.constant 0 : i32
      %cond3A_55 = arith.cmpi ne, %convert_element_type3A_53, %cond3A_54 : i32
      scf.if %cond3A_55 {
        %add3A_68 = arith.addi %mul3A_2, %mul3A_46 : i32
        %sub3A_69 = arith.constant 16 : i32
        %sub3A_70 = arith.subi %add3A_68, %sub3A_69 : i32
        %dma_wait3A_71 = arith.constant 0 : i32
        %dma_wait3A_72 = tpu.memref_slice %arg4[%sub3A_70, %dma_wait3A_71] : memref<4096x1024xf32, #tpu.memory_space<hbm>> -> memref<16x1024xf32, #tpu.memory_space<hbm>>
        %dma_wait3A_73 = arith.constant 0 : i32
        %dma_wait3A_74 = tpu.memref_slice %arg4[%sub3A_70, %dma_wait3A_73] : memref<4096x1024xf32, #tpu.memory_space<hbm>> -> memref<16x1024xf32, #tpu.memory_space<hbm>>
        tpu.wait_dma2 semaphore(%arg10 : memref<!tpu.dma_semaphore, #tpu.memory_space<semaphore_mem>>) src(%arg6 : memref<16x1024xf32, #tpu.memory_space<vmem>>) dst(%dma_wait3A_74 : memref<16x1024xf32, #tpu.memory_space<hbm>>)
      } else {
      }
      %add3A_56 = arith.constant 1 : i32
      %add3A_57 = arith.addi %add3A_44, %add3A_56 : i32
      %lt3A_58 = arith.constant 8 : i32
      %lt3A_59 = arith.cmpi slt, %add3A_57, %lt3A_58 : i32
      %convert_element_type3A_60 = arith.extui %lt3A_59 : i1 to i32
      %cond3A_61 = arith.constant 0 : i32
      %cond3A_62 = arith.cmpi ne, %convert_element_type3A_60, %cond3A_61 : i32
      scf.if %cond3A_62 {
        %add3A_68 = arith.constant 16 : i32
        %add3A_69 = arith.addi %mul3A_46, %add3A_68 : i32
        %dma_start3A_70 = tpu.memref_slice %arg5[%add3A_69] : memref<128xi32, #tpu.memory_space<vmem>> -> memref<16xi32, #tpu.memory_space<vmem>>
        %dma_start3A_71 = arith.constant 0 : i32
        %dma_start3A_72 = arith.constant 0 : i32
        %dma_start3A_73 = tpu.memref_slice %arg3[%dma_start3A_71, %dma_start3A_72] : memref<100000x1024xf32, #tpu.memory_space<hbm>> -> memref<100000x1024xf32, #tpu.memory_space<hbm>>
        tpu.enqueue_indirect_dma source(%dma_start3A_73 : memref<100000x1024xf32, #tpu.memory_space<hbm>>) target(%arg6 : memref<16x1024xf32, #tpu.memory_space<vmem>>) offsets(%dma_start3A_70 : memref<16xi32, #tpu.memory_space<vmem>>) semaphore(%arg8 : memref<!tpu.dma_semaphore, #tpu.memory_space<semaphore_mem>>)
      } else {
      }
      %add3A_63 = arith.addi %mul3A_2, %mul3A_46 : i32
      %dma_start3A_64 = arith.constant 0 : i32
      %dma_start3A_65 = tpu.memref_slice %arg4[%add3A_63, %dma_start3A_64] : memref<4096x1024xf32, #tpu.memory_space<hbm>> -> memref<16x1024xf32, #tpu.memory_space<hbm>>
      %dma_start3A_66 = arith.constant 0 : i32
      %dma_start3A_67 = tpu.memref_slice %arg4[%add3A_63, %dma_start3A_66] : memref<4096x1024xf32, #tpu.memory_space<hbm>> -> memref<16x1024xf32, #tpu.memory_space<hbm>>
      tpu.enqueue_dma source(%arg7 : memref<16x1024xf32, #tpu.memory_space<vmem>>) target(%dma_start3A_67 : memref<16x1024xf32, #tpu.memory_space<hbm>>) target_semaphore(%arg11 : memref<!tpu.dma_semaphore, #tpu.memory_space<semaphore_mem>>)
    }
    %scan3A_10 = arith.constant 4 : i32
    %add3A_11 = arith.constant 128 : i32
    %add3A_12 = arith.addi %mul3A_2, %add3A_11 : i32
    %sub3A = arith.constant 16 : i32
    %sub3A_13 = arith.subi %add3A_12, %sub3A : i32
    %dma_wait3A = arith.constant 0 : i32
    %dma_wait3A_14 = tpu.memref_slice %arg4[%sub3A_13, %dma_wait3A] : memref<4096x1024xf32, #tpu.memory_space<hbm>> -> memref<16x1024xf32, #tpu.memory_space<hbm>>
    %dma_wait3A_15 = arith.constant 0 : i32
    %dma_wait3A_16 = tpu.memref_slice %arg4[%sub3A_13, %dma_wait3A_15] : memref<4096x1024xf32, #tpu.memory_space<hbm>> -> memref<16x1024xf32, #tpu.memory_space<hbm>>
    tpu.wait_dma2 semaphore(%arg11 : memref<!tpu.dma_semaphore, #tpu.memory_space<semaphore_mem>>) src(%arg7 : memref<16x1024xf32, #tpu.memory_space<vmem>>) dst(%dma_wait3A_16 : memref<16x1024xf32, #tpu.memory_space<hbm>>)
    return
  }
}

module attributes {stable_mosaic.version = 14 : i64} {
  func.func @_ln_body(%arg0: i32, %arg1: i32, %arg2: memref<1024x1024xf32, #tpu.memory_space<vmem>>, %arg3: memref<1024x1024xf32, #tpu.memory_space<vmem>>, %arg4: memref<1024x1xf32, #tpu.memory_space<vmem>>, %arg5: memref<2x1024xf32, #tpu.memory_space<vmem>>, %arg6: memref<1x1024xf32, #tpu.memory_space<vmem>>, %arg7: memref<1x1024xf32, #tpu.memory_space<vmem>>, %arg8: memref<1024x1024xf32, #tpu.memory_space<vmem>>) attributes {dimension_semantics = [#tpu.dimension_semantics<arbitrary>, #tpu.dimension_semantics<arbitrary>], iteration_bounds = array<i64: 2, 2>, scalar_prefetch = 0 : i64, scratch_operands = 0 : i64, tpu.core_type = #tpu.core_type<tc>, window_params = [{transform_indices = @transform_0, window_bounds = array<i64: 1024, 1024>}, {transform_indices = @transform_1, window_bounds = array<i64: 1024, 1024>}, {transform_indices = @transform_2, window_bounds = array<i64: 1024, 1>}, {pipeline_mode = #tpu.pipeline_mode<synchronous>, transform_indices = @transform_3, window_bounds = array<i64: 2, 1024>}, {pipeline_mode = #tpu.pipeline_mode<synchronous>, transform_indices = @transform_4, window_bounds = array<i64: 1, 1024>}, {pipeline_mode = #tpu.pipeline_mode<synchronous>, transform_indices = @transform_5, window_bounds = array<i64: 1, 1024>}, {transform_indices = @transform_6, window_bounds = array<i64: 1024, 1024>}]} {
    %get3A = arith.constant 0 : index
    %get3A_0 = arith.constant 0 : index
    %get3A_1 = vector.load %arg5[%get3A, %get3A_0] : memref<2x1024xf32, #tpu.memory_space<vmem>>, vector<1x1024xf32>
    %get3A_2 = vector.shape_cast %get3A_1 : vector<1x1024xf32> to vector<1024xf32>
    %get3A_3 = arith.constant 1 : index
    %get3A_4 = arith.constant 0 : index
    %get3A_5 = vector.load %arg5[%get3A_3, %get3A_4] : memref<2x1024xf32, #tpu.memory_space<vmem>>, vector<1x1024xf32>
    %get3A_6 = vector.shape_cast %get3A_5 : vector<1x1024xf32> to vector<1024xf32>
    %get3A_7 = arith.constant 0 : index
    %get3A_8 = arith.constant 0 : index
    %get3A_9 = vector.load %arg4[%get3A_7, %get3A_8] : memref<1024x1xf32, #tpu.memory_space<vmem>>, vector<1024x1xf32>
    %get3A_10 = arith.constant 0 : index
    %get3A_11 = arith.constant 0 : index
    %get3A_12 = vector.load %arg2[%get3A_10, %get3A_11] : memref<1024x1024xf32, #tpu.memory_space<vmem>>, vector<1024x1024xf32>
    %get3A_13 = arith.constant 0 : index
    %get3A_14 = arith.constant 0 : index
    %get3A_15 = vector.load %arg3[%get3A_13, %get3A_14] : memref<1024x1024xf32, #tpu.memory_space<vmem>>, vector<1024x1024xf32>
    %add3A = arith.addf %get3A_12, %get3A_15 : vector<1024x1024xf32>
    %broadcast_in_dim3A = vector.shape_cast %get3A_2 : vector<1024xf32> to vector<1x1024xf32>
    %sub3A = arith.subf %get3A_6, %get3A_2 : vector<1024xf32>
    %broadcast_in_dim3A_16 = vector.shape_cast %sub3A : vector<1024xf32> to vector<1x1024xf32>
    %mul3A = vector.broadcast %get3A_9 : vector<1024x1xf32> to vector<1024x1024xf32>
    %mul3A_17 = vector.broadcast %broadcast_in_dim3A_16 : vector<1x1024xf32> to vector<1024x1024xf32>
    %mul3A_18 = arith.mulf %mul3A, %mul3A_17 : vector<1024x1024xf32>
    %add3A_19 = vector.broadcast %broadcast_in_dim3A : vector<1x1024xf32> to vector<1024x1024xf32>
    %add3A_20 = arith.addf %add3A_19, %mul3A_18 : vector<1024x1024xf32>
    %add3A_21 = arith.addf %add3A, %add3A_20 : vector<1024x1024xf32>
    %reduce_sum3A = arith.constant dense<0.000000e+00> : vector<1024xf32>
    %reduce_sum3A_22 = vector.multi_reduction <add>, %add3A_21, %reduce_sum3A [1] : vector<1024x1024xf32> to vector<1024xf32>
    %broadcast_in_dim3A_23 = vector.shape_cast %reduce_sum3A_22 : vector<1024xf32> to vector<1024x1xf32>
    %div3A = arith.constant 1.024000e+03 : f32
    %div3A_24 = vector.broadcast %div3A : f32 to vector<1024x1xf32>
    %div3A_25 = arith.divf %broadcast_in_dim3A_23, %div3A_24 : vector<1024x1xf32>
    %sub3A_26 = vector.broadcast %div3A_25 : vector<1024x1xf32> to vector<1024x1024xf32>
    %sub3A_27 = arith.subf %add3A_21, %sub3A_26 : vector<1024x1024xf32>
    %mul3A_28 = arith.mulf %sub3A_27, %sub3A_27 : vector<1024x1024xf32>
    %reduce_sum3A_29 = arith.constant dense<0.000000e+00> : vector<1024xf32>
    %reduce_sum3A_30 = vector.multi_reduction <add>, %mul3A_28, %reduce_sum3A_29 [1] : vector<1024x1024xf32> to vector<1024xf32>
    %broadcast_in_dim3A_31 = vector.shape_cast %reduce_sum3A_30 : vector<1024xf32> to vector<1024x1xf32>
    %div3A_32 = arith.constant 1.024000e+03 : f32
    %div3A_33 = vector.broadcast %div3A_32 : f32 to vector<1024x1xf32>
    %div3A_34 = arith.divf %broadcast_in_dim3A_31, %div3A_33 : vector<1024x1xf32>
    %add3A_35 = arith.constant 9.99999974E-6 : f32
    %add3A_36 = vector.broadcast %add3A_35 : f32 to vector<1024x1xf32>
    %add3A_37 = arith.addf %div3A_34, %add3A_36 : vector<1024x1xf32>
    %rsqrt3A = math.rsqrt %add3A_37 : vector<1024x1xf32>
    %mul3A_38 = vector.broadcast %rsqrt3A : vector<1024x1xf32> to vector<1024x1024xf32>
    %mul3A_39 = arith.mulf %sub3A_27, %mul3A_38 : vector<1024x1024xf32>
    %get3A_40 = arith.constant 0 : index
    %get3A_41 = arith.constant 0 : index
    %get3A_42 = vector.load %arg6[%get3A_40, %get3A_41] : memref<1x1024xf32, #tpu.memory_space<vmem>>, vector<1x1024xf32>
    %mul3A_43 = vector.broadcast %get3A_42 : vector<1x1024xf32> to vector<1024x1024xf32>
    %mul3A_44 = arith.mulf %mul3A_39, %mul3A_43 : vector<1024x1024xf32>
    %get3A_45 = arith.constant 0 : index
    %get3A_46 = arith.constant 0 : index
    %get3A_47 = vector.load %arg7[%get3A_45, %get3A_46] : memref<1x1024xf32, #tpu.memory_space<vmem>>, vector<1x1024xf32>
    %add3A_48 = vector.broadcast %get3A_47 : vector<1x1024xf32> to vector<1024x1024xf32>
    %add3A_49 = arith.addf %mul3A_44, %add3A_48 : vector<1024x1024xf32>
    %swap3A = arith.constant 0 : index
    %swap3A_50 = arith.constant 0 : index
    %swap3A_51 = vector.load %arg8[%swap3A, %swap3A_50] : memref<1024x1024xf32, #tpu.memory_space<vmem>>, vector<1024x1024xf32>
    tpu.vector_store %arg8[%swap3A, %swap3A_50], %add3A_49 {strides = array<i32>} : memref<1024x1024xf32, #tpu.memory_space<vmem>>, vector<1024x1024xf32>,
    return
  }
  func.func @transform_0(%arg0: i32, %arg1: i32) -> (i32, i32) {
    %mul3A = arith.constant 2 : i32
    %mul3A_0 = arith.muli %arg1, %mul3A : i32
    %add3A = arith.addi %mul3A_0, %arg0 : i32
    %c0_i32 = arith.constant 0 : i32
    %c0_i32_1 = arith.constant 0 : i32
    return %add3A, %c0_i32 : i32, i32
  }
  func.func @transform_1(%arg0: i32, %arg1: i32) -> (i32, i32) {
    %c0_i32 = arith.constant 0 : i32
    %c0_i32_0 = arith.constant 0 : i32
    return %arg0, %c0_i32 : i32, i32
  }
  func.func @transform_2(%arg0: i32, %arg1: i32) -> (i32, i32) {
    %mul3A = arith.constant 2 : i32
    %mul3A_0 = arith.muli %arg1, %mul3A : i32
    %add3A = arith.addi %mul3A_0, %arg0 : i32
    %c0_i32 = arith.constant 0 : i32
    %c0_i32_1 = arith.constant 0 : i32
    return %add3A, %c0_i32 : i32, i32
  }
  func.func @transform_3(%arg0: i32, %arg1: i32) -> (i32, i32) {
    %c0_i32 = arith.constant 0 : i32
    %c0_i32_0 = arith.constant 0 : i32
    %c0_i32_1 = arith.constant 0 : i32
    return %c0_i32, %c0_i32_0 : i32, i32
  }
  func.func @transform_4(%arg0: i32, %arg1: i32) -> (i32, i32) {
    %c0_i32 = arith.constant 0 : i32
    %c0_i32_0 = arith.constant 0 : i32
    %c0_i32_1 = arith.constant 0 : i32
    return %c0_i32, %c0_i32_0 : i32, i32
  }
  func.func @transform_5(%arg0: i32, %arg1: i32) -> (i32, i32) {
    %c0_i32 = arith.constant 0 : i32
    %c0_i32_0 = arith.constant 0 : i32
    %c0_i32_1 = arith.constant 0 : i32
    return %c0_i32, %c0_i32_0 : i32, i32
  }
  func.func @transform_6(%arg0: i32, %arg1: i32) -> (i32, i32) {
    %mul3A = arith.constant 2 : i32
    %mul3A_0 = arith.muli %arg1, %mul3A : i32
    %add3A = arith.addi %mul3A_0, %arg0 : i32
    %c0_i32 = arith.constant 0 : i32
    %c0_i32_1 = arith.constant 0 : i32
    return %add3A, %c0_i32 : i32, i32
  }
}

module attributes {stable_mosaic.version = 14 : i64} {
  func.func @_ln_body_acc(%arg0: i32, %arg1: i32, %arg2: memref<1024x1024xf32, #tpu.memory_space<vmem>>, %arg3: memref<1024x1024xf32, #tpu.memory_space<vmem>>, %arg4: memref<1024x1xf32, #tpu.memory_space<vmem>>, %arg5: memref<2x1024xf32, #tpu.memory_space<vmem>>, %arg6: memref<1x1024xf32, #tpu.memory_space<vmem>>, %arg7: memref<1x1024xf32, #tpu.memory_space<vmem>>, %arg8: memref<1024x1024xf32, #tpu.memory_space<vmem>>, %arg9: memref<1024x1024xf32, #tpu.memory_space<vmem>>) attributes {dimension_semantics = [#tpu.dimension_semantics<arbitrary>, #tpu.dimension_semantics<arbitrary>], iteration_bounds = array<i64: 2, 2>, scalar_prefetch = 0 : i64, scratch_operands = 0 : i64, tpu.core_type = #tpu.core_type<tc>, window_params = [{transform_indices = @transform_0, window_bounds = array<i64: 1024, 1024>}, {transform_indices = @transform_1, window_bounds = array<i64: 1024, 1024>}, {transform_indices = @transform_2, window_bounds = array<i64: 1024, 1>}, {pipeline_mode = #tpu.pipeline_mode<synchronous>, transform_indices = @transform_3, window_bounds = array<i64: 2, 1024>}, {pipeline_mode = #tpu.pipeline_mode<synchronous>, transform_indices = @transform_4, window_bounds = array<i64: 1, 1024>}, {pipeline_mode = #tpu.pipeline_mode<synchronous>, transform_indices = @transform_5, window_bounds = array<i64: 1, 1024>}, {transform_indices = @transform_6, window_bounds = array<i64: 1024, 1024>}, {transform_indices = @transform_7, window_bounds = array<i64: 1024, 1024>}]} {
    %get3A = arith.constant 0 : index
    %get3A_0 = arith.constant 0 : index
    %get3A_1 = vector.load %arg5[%get3A, %get3A_0] : memref<2x1024xf32, #tpu.memory_space<vmem>>, vector<1x1024xf32>
    %get3A_2 = vector.shape_cast %get3A_1 : vector<1x1024xf32> to vector<1024xf32>
    %get3A_3 = arith.constant 1 : index
    %get3A_4 = arith.constant 0 : index
    %get3A_5 = vector.load %arg5[%get3A_3, %get3A_4] : memref<2x1024xf32, #tpu.memory_space<vmem>>, vector<1x1024xf32>
    %get3A_6 = vector.shape_cast %get3A_5 : vector<1x1024xf32> to vector<1024xf32>
    %get3A_7 = arith.constant 0 : index
    %get3A_8 = arith.constant 0 : index
    %get3A_9 = vector.load %arg4[%get3A_7, %get3A_8] : memref<1024x1xf32, #tpu.memory_space<vmem>>, vector<1024x1xf32>
    %get3A_10 = arith.constant 0 : index
    %get3A_11 = arith.constant 0 : index
    %get3A_12 = vector.load %arg2[%get3A_10, %get3A_11] : memref<1024x1024xf32, #tpu.memory_space<vmem>>, vector<1024x1024xf32>
    %get3A_13 = arith.constant 0 : index
    %get3A_14 = arith.constant 0 : index
    %get3A_15 = vector.load %arg3[%get3A_13, %get3A_14] : memref<1024x1024xf32, #tpu.memory_space<vmem>>, vector<1024x1024xf32>
    %add3A = arith.addf %get3A_12, %get3A_15 : vector<1024x1024xf32>
    %broadcast_in_dim3A = vector.shape_cast %get3A_2 : vector<1024xf32> to vector<1x1024xf32>
    %sub3A = arith.subf %get3A_6, %get3A_2 : vector<1024xf32>
    %broadcast_in_dim3A_16 = vector.shape_cast %sub3A : vector<1024xf32> to vector<1x1024xf32>
    %mul3A = vector.broadcast %get3A_9 : vector<1024x1xf32> to vector<1024x1024xf32>
    %mul3A_17 = vector.broadcast %broadcast_in_dim3A_16 : vector<1x1024xf32> to vector<1024x1024xf32>
    %mul3A_18 = arith.mulf %mul3A, %mul3A_17 : vector<1024x1024xf32>
    %add3A_19 = vector.broadcast %broadcast_in_dim3A : vector<1x1024xf32> to vector<1024x1024xf32>
    %add3A_20 = arith.addf %add3A_19, %mul3A_18 : vector<1024x1024xf32>
    %add3A_21 = arith.addf %add3A, %add3A_20 : vector<1024x1024xf32>
    %reduce_sum3A = arith.constant dense<0.000000e+00> : vector<1024xf32>
    %reduce_sum3A_22 = vector.multi_reduction <add>, %add3A_21, %reduce_sum3A [1] : vector<1024x1024xf32> to vector<1024xf32>
    %broadcast_in_dim3A_23 = vector.shape_cast %reduce_sum3A_22 : vector<1024xf32> to vector<1024x1xf32>
    %div3A = arith.constant 1.024000e+03 : f32
    %div3A_24 = vector.broadcast %div3A : f32 to vector<1024x1xf32>
    %div3A_25 = arith.divf %broadcast_in_dim3A_23, %div3A_24 : vector<1024x1xf32>
    %sub3A_26 = vector.broadcast %div3A_25 : vector<1024x1xf32> to vector<1024x1024xf32>
    %sub3A_27 = arith.subf %add3A_21, %sub3A_26 : vector<1024x1024xf32>
    %mul3A_28 = arith.mulf %sub3A_27, %sub3A_27 : vector<1024x1024xf32>
    %reduce_sum3A_29 = arith.constant dense<0.000000e+00> : vector<1024xf32>
    %reduce_sum3A_30 = vector.multi_reduction <add>, %mul3A_28, %reduce_sum3A_29 [1] : vector<1024x1024xf32> to vector<1024xf32>
    %broadcast_in_dim3A_31 = vector.shape_cast %reduce_sum3A_30 : vector<1024xf32> to vector<1024x1xf32>
    %div3A_32 = arith.constant 1.024000e+03 : f32
    %div3A_33 = vector.broadcast %div3A_32 : f32 to vector<1024x1xf32>
    %div3A_34 = arith.divf %broadcast_in_dim3A_31, %div3A_33 : vector<1024x1xf32>
    %add3A_35 = arith.constant 9.99999974E-6 : f32
    %add3A_36 = vector.broadcast %add3A_35 : f32 to vector<1024x1xf32>
    %add3A_37 = arith.addf %div3A_34, %add3A_36 : vector<1024x1xf32>
    %rsqrt3A = math.rsqrt %add3A_37 : vector<1024x1xf32>
    %mul3A_38 = vector.broadcast %rsqrt3A : vector<1024x1xf32> to vector<1024x1024xf32>
    %mul3A_39 = arith.mulf %sub3A_27, %mul3A_38 : vector<1024x1024xf32>
    %get3A_40 = arith.constant 0 : index
    %get3A_41 = arith.constant 0 : index
    %get3A_42 = vector.load %arg6[%get3A_40, %get3A_41] : memref<1x1024xf32, #tpu.memory_space<vmem>>, vector<1x1024xf32>
    %mul3A_43 = vector.broadcast %get3A_42 : vector<1x1024xf32> to vector<1024x1024xf32>
    %mul3A_44 = arith.mulf %mul3A_39, %mul3A_43 : vector<1024x1024xf32>
    %get3A_45 = arith.constant 0 : index
    %get3A_46 = arith.constant 0 : index
    %get3A_47 = vector.load %arg7[%get3A_45, %get3A_46] : memref<1x1024xf32, #tpu.memory_space<vmem>>, vector<1x1024xf32>
    %add3A_48 = vector.broadcast %get3A_47 : vector<1x1024xf32> to vector<1024x1024xf32>
    %add3A_49 = arith.addf %mul3A_44, %add3A_48 : vector<1024x1024xf32>
    %swap3A = arith.constant 0 : index
    %swap3A_50 = arith.constant 0 : index
    %swap3A_51 = vector.load %arg9[%swap3A, %swap3A_50] : memref<1024x1024xf32, #tpu.memory_space<vmem>>, vector<1024x1024xf32>
    tpu.vector_store %arg9[%swap3A, %swap3A_50], %add3A_49 {strides = array<i32>} : memref<1024x1024xf32, #tpu.memory_space<vmem>>, vector<1024x1024xf32>,
    return
  }
  func.func @transform_0(%arg0: i32, %arg1: i32) -> (i32, i32) {
    %mul3A = arith.constant 2 : i32
    %mul3A_0 = arith.muli %arg1, %mul3A : i32
    %add3A = arith.addi %mul3A_0, %arg0 : i32
    %c0_i32 = arith.constant 0 : i32
    %c0_i32_1 = arith.constant 0 : i32
    return %add3A, %c0_i32 : i32, i32
  }
  func.func @transform_1(%arg0: i32, %arg1: i32) -> (i32, i32) {
    %c0_i32 = arith.constant 0 : i32
    %c0_i32_0 = arith.constant 0 : i32
    return %arg0, %c0_i32 : i32, i32
  }
  func.func @transform_2(%arg0: i32, %arg1: i32) -> (i32, i32) {
    %mul3A = arith.constant 2 : i32
    %mul3A_0 = arith.muli %arg1, %mul3A : i32
    %add3A = arith.addi %mul3A_0, %arg0 : i32
    %c0_i32 = arith.constant 0 : i32
    %c0_i32_1 = arith.constant 0 : i32
    return %add3A, %c0_i32 : i32, i32
  }
  func.func @transform_3(%arg0: i32, %arg1: i32) -> (i32, i32) {
    %c0_i32 = arith.constant 0 : i32
    %c0_i32_0 = arith.constant 0 : i32
    %c0_i32_1 = arith.constant 0 : i32
    return %c0_i32, %c0_i32_0 : i32, i32
  }
  func.func @transform_4(%arg0: i32, %arg1: i32) -> (i32, i32) {
    %c0_i32 = arith.constant 0 : i32
    %c0_i32_0 = arith.constant 0 : i32
    %c0_i32_1 = arith.constant 0 : i32
    return %c0_i32, %c0_i32_0 : i32, i32
  }
  func.func @transform_5(%arg0: i32, %arg1: i32) -> (i32, i32) {
    %c0_i32 = arith.constant 0 : i32
    %c0_i32_0 = arith.constant 0 : i32
    %c0_i32_1 = arith.constant 0 : i32
    return %c0_i32, %c0_i32_0 : i32, i32
  }
  func.func @transform_6(%arg0: i32, %arg1: i32) -> (i32, i32) {
    %c0_i32 = arith.constant 0 : i32
    %c0_i32_0 = arith.constant 0 : i32
    %c0_i32_1 = arith.constant 0 : i32
    return %c0_i32, %c0_i32_0 : i32, i32
  }
  func.func @transform_7(%arg0: i32, %arg1: i32) -> (i32, i32) {
    %mul3A = arith.constant 2 : i32
    %mul3A_0 = arith.muli %arg1, %mul3A : i32
    %add3A = arith.constant 4 : i32
    %add3A_1 = arith.addi %add3A, %mul3A_0 : i32
    %add3A_2 = arith.addi %add3A_1, %arg0 : i32
    %c0_i32 = arith.constant 0 : i32
    %c0_i32_3 = arith.constant 0 : i32
    return %add3A_2, %c0_i32 : i32, i32
  }
}

</mosaic_0001>

<sc_bundles>
// kernel: kernel.6.cloned.1.call-start
scs
__scs_entry_jumppad:
0x0: {  	(pc) =	sbr.rel $0x88, $3  }
0x1: {  	(tag) =	ssettag $0x0;
	lr =	simm.s32 $0x1  }
0x2: {  	[smem:$0x3F9A] =	sst lr;
	_ =	strace $0xD0000000  }
0x3: {  	_ = 	snop  }
0x4: {  	_ = 	snop  }
0x5: {  	_ = 	snop  }
0x6: {  	_ = 	snop  }
0x7: {  	_ = 	snop  }
__scs_overlays_trampoline_lowered:
0x8: {  	[smem:$0x3FA9] =	sst s0  }
0x9: {  	[smem:$0x3FAA] =	sst s1  }
0xa: {  	[smem:$0x3FAB] =	sst s2  }
0xb: {  	[smem:$0x3FAC] =	sst s3  }
0xc: {  	[smem:$0x3FAD] =	sst s4  }
0xd: {  	[smem:$0x3FAE] =	sst s5  }
0xe: {  	[smem:$0x3FAF] =	sst s6  }
0xf: {  	[smem:$0x3FB0] =	sst s7  }
0x10: {  	[smem:$0x3FB1] =	sst s8  }
0x11: {  	[smem:$0x3FB2] =	sst s9;
	s0 =	simm.s32 @!p0 $0x0  }
0x12: {  	s1 =	sld [smem:$0x3F98];
	s0 =	simm.s32 @p0 $0x1  }
0x13: {  	[smem:$0x3FB3] =	sst s0;
	s0 =	simm.s32 @!p1 $0x0  }
0x14: {  	s2 =	sld [smem:$0x3F97];
	s0 =	simm.s32 @p1 $0x1  }
0x15: {  	[smem:$0x3FB4] =	sst s0;
	s0 =	simm.s32 @!p2 $0x0  }
0x16: {  	s3 =	sld [smem:$0x3FDB];
	s0 =	simm.s32 @p2 $0x1  }
0x17: {  	s4 =	simm.s32 $0x1BF5;
	[smem:$0x3FB6] =	sst s0  }
0x18: {  	s0 =	sld [smem:$0x3F99];
	_ =	swait.ge [sflag:s4], $0x0  }
0x19: {  	s7 =	sld [smem:$0x3F9A]  }
0x1a: {  	s8 =	sadd.s32 $0xFFFFE003, lr  }
0x1b: {  	s9 =	sadd.s32 $0xFFFFFEF7, lr;
	s5 =	simm.s32 $0xFFFFFFFF;
	p2 =	slt.u32 s8, $0xFFFFF086  }
0x1c: {  	p1 =	slt.u32 s9, $0xF7A;
	s5 =	simm.s32 @!p2 $0x0  }
0x1d: {  	s5 =	simm.s32 @p1 $0x1;
	p0 =	seq.s32 s7, s2  }
0x1e: {  	s7 =	smul.u32 @!p0 $0xF7A, s2;
	p2 =	seq.s32 @!p0 s5, $0x0  }
0x1f: {  	s9 =	smul.u32 $0xF7A, s1;
	s8 =	simm.s32 @!p0 $0x1BF5;
	p2 =	por !p2, p0  }
0x20: {  	[sflag:s8] =	ssyncset.s32 @!p0 $0xFFFFF086;
	s6 =	sadd.s32 @!p0 s3, s7;
	s7 =	simm.s32 @!p0 $0x108  }
0x21: {  	s3 =	sadd.s32 s3, s9;
	s6 =	sadd.s32 @!p0 $0x88, s6;
	s7 =	simm.s32 @p2 $0x1082  }
0x22: {  	[simem:s7], [sflag:s8] =	dma.local @!p0 [hbm:s6], $0xF7A  }
0x23: {  	s9 =	sor.u32 $0xD0000000, s2;
	s6 =	simm.s32 $0x108;
	_ =	swait.ge @!p0 [sflag:s8], $0x0  }
0x24: {  	s3 =	sadd.s32 $0x88, s3;
	s6 =	simm.s32 @!p1 $0x1082;
	[sflag:s4] =	ssyncset.s32 $0xFFFFF086  }
0x25: {  	[simem:s6], [sflag:s4] =	dma.local [hbm:s3], $0xF7A  }
0x26: {  	[smem:$0x3F9A] =	sst s1;
	(tag) =	ssettag s2;
	_ =	strace s9  }
0x27: {  	s1 =	sld [smem:$0x3FAA]  }
0x28: {  	s2 =	sld [smem:$0x3FAB]  }
0x29: {  	s4 =	sld [smem:$0x3FAD]  }
0x2a: {  	p0 =	seq.s32 s5, $0x0;
	s5 =	sld [smem:$0x3FAE]  }
0x2b: {  	s6 =	sld [smem:$0x3FAF]  }
0x2c: {  	s7 =	sld [smem:$0x3FB0]  }
0x2d: {  	s3 =	simm.s32 $0x108;
	s8 =	sld [smem:$0x3FB1]  }
0x2e: {  	s3 =	simm.s32 @!p0 $0x1082;
	s9 =	sld [smem:$0x3FB2]  }
0x2f: {  	lr =	sadd.s32 s0, s3;
	s0 =	sld [smem:$0x3FA9]  }
0x30: {  	s3 =	sld [smem:$0x3FAC]  }
0x31: {  	[smem:$0x3FB5] =	sst s10  }
0x32: {  	s10 =	sld [smem:$0x3FB3];
	_ =	sdelay $0x3  }
0x33: {  	p0 =	seq.s32 s10, $0x1;
	s10 =	sld [smem:$0x3FB5];
	_ =	sdelay $0x3  }
0x34: {  	[smem:$0x3FB5] =	sst s10  }
0x35: {  	s10 =	sld [smem:$0x3FB4];
	_ =	sdelay $0x3  }
0x36: {  	p1 =	seq.s32 s10, $0x1;
	s10 =	sld [smem:$0x3FB5];
	_ =	sdelay $0x3  }
0x37: {  	[smem:$0x3FB5] =	sst s10  }
0x38: {  	s10 =	sld [smem:$0x3FB6]  }
0x39: {  	_ = 	snop;
	(pc) =	sbr.ind lr, $3  }
0x3a: {  	_ = 	snop  }
0x3b: {  	_ = 	snop  }
0x3c: {  	p2 =	seq.s32 s10, $0x1;
	s10 =	sld [smem:$0x3FB5]  }
0x3d: {  	_ =	shalt  }
0x3e: {  	_ =	shalt  }
0x3f: {  	_ =	shalt  }
0x40: {  	_ =	shalt  }
0x41: {  	_ =	shalt  }
0x42: {  	_ =	shalt  }
0x43: {  	_ =	shalt  }
0x44: {  	_ =	shalt  }
0x45: {  	_ =	shalt  }
0x46: {  	_ =	shalt  }
0x47: {  	_ =	shalt  }
0x48: {  	_ =	shalt  }
0x49: {  	_ =	shalt  }
0x4a: {  	_ =	shalt  }
0x4b: {  	_ =	shalt  }
0x4c: {  	_ =	shalt  }
0x4d: {  	_ =	shalt  }
0x4e: {  	_ =	shalt  }
0x4f: {  	_ =	shalt  }
0x50: {  	_ =	shalt  }
0x51: {  	_ =	shalt  }
0x52: {  	_ =	shalt  }
0x53: {  	_ =	shalt  }
0x54: {  	_ =	shalt  }
0x55: {  	_ =	shalt  }
0x56: {  	_ =	shalt  }
0x57: {  	_ =	shalt  }
0x58: {  	_ =	shalt  }
0x59: {  	_ =	shalt  }
0x5a: {  	_ =	shalt  }
0x5b: {  	_ =	shalt  }
0x5c: {  	_ =	shalt  }
0x5d: {  	_ =	shalt  }
0x5e: {  	_ =	shalt  }
0x5f: {  	_ =	shalt  }
0x60: {  	_ =	shalt  }
0x61: {  	_ =	shalt  }
0x62: {  	_ =	shalt  }
0x63: {  	_ =	shalt  }
0x64: {  	_ =	shalt  }
0x65: {  	_ =	shalt  }
0x66: {  	_ =	shalt  }
0x67: {  	_ =	shalt  }
0x68: {  	_ =	shalt  }
0x69: {  	_ =	shalt  }
0x6a: {  	_ =	shalt  }
0x6b: {  	_ =	shalt  }
0x6c: {  	_ =	shalt  }
0x6d: {  	_ =	shalt  }
0x6e: {  	_ =	shalt  }
0x6f: {  	_ =	shalt  }
0x70: {  	_ =	shalt  }
0x71: {  	_ =	shalt  }
0x72: {  	_ =	shalt  }
0x73: {  	_ =	shalt  }
0x74: {  	_ =	shalt  }
0x75: {  	_ =	shalt  }
0x76: {  	_ =	shalt  }
0x77: {  	_ =	shalt  }
0x78: {  	_ =	shalt  }
0x79: {  	_ =	shalt  }
0x7a: {  	_ =	shalt  }
0x7b: {  	_ =	shalt  }
0x7c: {  	_ =	shalt  }
0x7d: {  	_ =	shalt  }
0x7e: {  	_ =	shalt  }
0x7f: {  	_ =	shalt  }
0x80: {  	_ =	shalt  }
0x81: {  	_ =	shalt  }
0x82: {  	_ =	shalt  }
0x83: {  	_ =	shalt  }
0x84: {  	_ =	shalt  }
0x85: {  	_ =	shalt  }
0x86: {  	_ =	shalt  }
0x87: {  	_ =	shalt  }
.Lfunc_end0:
.L_simem_size_0:
called_computation_lowered:
.L_overlay_start_0:
0x88: {  	s2 =	sld [smem:$0x3FD9]  }
0x89: {  	s3 =	sld [smem:$0x3FFE];
	_ =	sdelay $0x1  }
0x8a: {  	s1 =	srdreg.scid  }
0x8b: {  	s0 =	sand.u32 $0x1, s1  }
0x8c: {  	s17 =	sshll.u32 s0, $0xA;
	s2 =	sadd.s32 s3, s2  }
0x8d: {  	s2 =	sadd.s32 s2, s17  }
0x8e: {  	[smem:$0x3FC1] =	sst s2  }
0x8f: {  	_ = 	snop  }
0x90: {  	s2 =	sld [smem:$0x3FC7]  }
0x91: {  	s18 =	sld [smem:$0x3FD0];
	(tm) =	ssettm $0x1  }
0x92: {  	s4 =	sld [smem:$0x3FFB];
	_ =	sdelay $0x3  }
0x93: {  	_ =	strace s4  }
0x94: {  	s4 =	sld [smem:$0x3FFC];
	_ =	sdelay $0x3  }
0x95: {  	_ =	strace s4  }
0x96: {  	s4 =	sld [smem:$0x3FFD];
	_ =	sdelay $0x3  }
0x97: {  	_ =	strace s4  }
0x98: {  	_ =	strace $0x8FFFFFFF  }
0x99: {  	s19 =	sld [smem:$0x3FDB];
	_ =	sdelay $0x1  }
0x9a: {  	s5 =	simm.s32 $_scs_section_size  }
0x9b: {  	s6 =	simm.s32 $_size__tile_overlayer_lowered;
	s7 =	simm.s32 $_tile_overlayer_lowered  }
0x9c: {  	s22 =	simm.s32 $0x1BFF;
	s21 =	sshll.u32 s7, $0x1;
	s4 =	sadd.s32 s5, s19  }
0x9d: {  	s8 =	simm.s32 $0x0;
	s20 =	sshll.u32 s6, $0x1;
	s6 =	sadd.s32 s21, s4  }
0x9e: {  	[timem:s8], [sflag:s22] =	dma.local [hbm:s6], s20  }
0x9f: {  	_ =	swait.ge [sflag:s22], s20  }
0xa0: {  	s5 =	ssub.s32 $0x0, s20;
	[sflag:s22] =	ssyncset.done $0x0  }
0xa1: {  	[sflag:s22] =	ssyncadd.s32 s5;
	_ =	sdelay $0x1  }
0xa2: {  	s23 =	simm.s32 $0x1B8B  }
0xa3: {  	_ =	swait.ge [sflag:s23], $0x1  }
0xa4: {  	[sflag:s23] =	ssyncset.done $0x0  }
0xa5: {  	s25 =	simm.s32 $0x1B8E;
	s24 =	sld [smem:$0x3FFE];
	[sflag:s23] =	ssyncadd.s32 $0xFFFFFFFF  }
0xa6: {  	s26 =	simm.s32 $execute0_lowered;
	[smem:$0x3FD2] =	sst s25  }
0xa7: {  	s6 =	sshll.u32 s26, $0x1;
	_ =	strace $0x80000046;
	[dreg:$0x1] =	wrdreg $0xFFFFFFFF  }
0xa8: {  	s28 =	simm.s32 $_size_execute0_lowered;
	s4 =	sadd.s32 s4, s6;
	[dreg:$0x0] =	wrdreg $0x0  }
0xa9: {  	s6 =	sshll.u32 s28, $0x1;
	[dreg:$0x2] =	wrdreg s4  }
0xaa: {  	[dreg:$0x3] =	wrdreg s6  }
0xab: {  	[dreg:$0x4] =	wrdreg $0xC0  }
0xac: {  	_ =	task [dreg:s8], $0x5FFFF  }
0xad: {  	[dreg:$0x1] =	wrdreg $0xFFFFFFFF  }
0xae: {  	[dreg:$0x0] =	wrdreg $0x60  }
0xaf: {  	[dreg:$0x2] =	wrdreg s18  }
0xb0: {  	[dreg:$0x3] =	wrdreg s2  }
0xb1: {  	[dreg:$0x4] =	wrdreg s24  }
0xb2: {  	[dreg:$0x5] =	wrdreg $0x9  }
0xb3: {  	_ =	task.clear_ibuf [dreg:s8], $0x6FFFF;
	_ =	strace $0x90000046  }
0xb4: {  	s29 =	simm.s32 $0x9;
	_ =	strace $0x80000048  }
0xb5: {  	_ =	swait.ge [sflag:s29], $0x1  }
0xb6: {  	[sflag:s29] =	ssyncadd.s32 $0xFFFFFFFF  }
0xb7: {  	_ =	strace $0x90000048  }
0xb8: {  	_ =	sfence  }
0xb9: {  	s30 =	sld [smem:$0x0];
	_ =	sdelay $0x2  }
0xba: {  	s31 =	sshll.u32 s1, $0xD;
	s1 =	sshrl.u32 s1, $0x2  }
0xbb: {  	s3 =	sand.u32 $0x4000, s31;
	s1 =	sadd.s32 s1, s30  }
0xbc: {  	s0 =	sor.u32 s3, s0;
	s1 =	sshll.u32 s1, $0x11  }
0xbd: {  	s0 =	sor.u32 s1, s0  }
0xbe: {  	s0 =	sadd.s32 $0x8F2B, s0  }
0xbf: {  	[sflag:s0] =	ssyncadd.remote.s32 $0x1  }
0xc0: {  	_ =	sfence.sel $0xFFFF  }
0xc1: {  	[dreg:$0x0] =	wrdreg $0xFFFFFFFF;
	(pc) =	sbr.abs _section_cstart, $3  }
0xc2: {  	[dreg:$0x1] =	wrdreg $0xFFFFFFFF  }
0xc3: {  	_ =	task.clear_ibuf [dreg:s8], $0x2FFFF;
	_ =	strace $0x9FFFFFFF  }
0xc4: {  	(tm) =	ssettm $0x7FFFFFFF  }
0xc5: {  	_ =	shalt  }
tec
execute0_lowered:
.L_overlay_start_1:
0x0: {  	(tag) =	ssettag $0x1  }
0x1: {  	s1 =	rddreg [dreg:$0x0];
	s3 =	srdreg.scid  }
0x2: {  	s2 =	rddreg [dreg:$0x1];
	s0 =	stileid.u32  }
0x3: {  	s5 =	rddreg [dreg:$0x2];
	s11 =	simm.s32 $0x5;
	s12 =	simm.s32 $0x80  }
0x4: {  	s13 =	simm.s32 $0x880;
	s14 =	simm.s32 $0x1080;
	s15 =	simm.s32 $0x1880  }
0x5: {  	s16 =	simm.s32 $0x2080;
	s17 =	simm.s32 $0x2880;
	s18 =	simm.s32 $0x3080  }
0x6: {  	s19 =	simm.s32 $0x3880;
	s28 =	simm.s32 $0x7080;
	s29 =	simm.s32 $0x7880  }
0x7: {  	s30 =	simm.s32 $0x2;
	s31 =	simm.s32 $0x3;
	s4 =	sand.u32 $0x1, s3  }
0x8: {  	s6 =	sshll.u32 s0, $0x8;
	s3 =	simm.s32 $0x0;
	s7 =	sshll.u32 s4, $0x7  }
0x9: {  	[smem:$0x7FF] =	sst s3;
	s4 =	ssub.s32 $0x2, s4;
	s6 =	sor.u32 s7, s6  }
0xa: {  	_ =	strace $0x80000047;
	s21 =	sshrl.u32 s4, $0x1;
	s7 =	sshll.u32 s6, $0x7  }
0xb: {  	s6 =	sshrl.u32 s6, $0x3;
	s23 =	ssub.s32 s4, s21;
	s4 =	sadd.s32 $0x100, s2  }
0xc: {  	s21 =	simm.s32 $0x4080;
	s10 =	sadd.s32 s7, s5;
	s1 =	sadd.s32 s1, s6  }
0xd: {  	s5 =	sadd.s32 $0x200, s2;
	s6 =	sadd.s32 $0x300, s2;
	s7 =	smax.u32 s23, $0x1  }
0xe: {  	s23 =	simm.s32 $0x5080;
	[dreg:$0x4] =	wrdreg s1;
	s20 =	sadd.s32 $0x1600, s10  }
0xf: {  	s22 =	sadd.s32 $0x1E00, s10;
	s24 =	sadd.s32 $0x2600, s10;
	[dreg:$0x5] =	wrdreg s20  }
0x10: {  	s25 =	sadd.s32 $0x2E00, s10;
	s26 =	sadd.s32 $0x3600, s10;
	[dreg:$0x6] =	wrdreg s22  }
0x11: {  	s8 =	sadd.s32 $0x3E00, s10;
	s9 =	sadd.s32 $0x4600, s10;
	[dreg:$0x7] =	wrdreg s24  }
0x12: {  	v2 =	vlaneseq.u32;
	s10 =	sadd.s32 $0x4E00, s10;
	s1 =	simm.s32 $0x4;
	[dreg:$0x8] =	wrdreg s25  }
0x13: {  	vm0 =	vmmov $0xffff;
	v1 =	vshrl.u32 v2, $0x3;
	[dreg:$0x9] =	wrdreg s26;
	s20 =	simm.s32 $0x1;
	s22 =	simm.s32 $0x4880  }
0x14: {  	v0 =	vand.u32 $0x7, v2;
	v2 =	vor.u32 $0x8, v2;
	v1 =	vmul.u32 $0x8, v1;
	s24 =	simm.s32 $0x5880;
	s25 =	simm.s32 $0x6080;
	s26 =	simm.s32 $0x6880  }
.LBB2_1:
0x15: {  	s0 =	rddreg [dreg:$0x4]  }
0x16: {  	[tilespmem:s3], [sflag:$0x5] =	stream.linear.gather [hbm4b:s0+s3], $0x80, $0x38;
	[tilespmem:$0x8080] =	vst v63  }
0x17: {  	_ =	swait.ge [sflag:s11], $0x80  }
0x18: {  	[sflag:s11] =	ssyncset.done $0x0  }
0x19: {  	[sflag:s11] =	ssyncadd.s32 $0xFFFFFF80  }
0x1a: {  	v3 =	vld [tilespmem:$0x0];
	_ =	sdelay $0x4  }
0x1b: {  	v4 =	vshll.u32 v3, $0x3  }
0x1c: {  	v3 =	vand.u32 $0x7, v3;
	v4 =	vand.u32 $0xFFFFFFC0, v4  }
0x1d: {  	v3 =	vor.u32 v3, v4  }
0x1e: {  	v4 =	vperm.xlane v3, v0;
	_ =	sdelay $0x1  }
0x1f: {  	v4 =	vadd.s32 v1, v4;
	_ =	sdelay $0x4  }
0x20: {  	[tilespmem:s12], [sflag:$0x1] =	stream.indirect_vreg.gather [hbm4b:s2+s3], $0x80, v4, vm0, $0xb8;
	[tilespmem:$0x8080] =	vst v63  }
0x21: {  	v3 =	vperm.xlane v3, v2  }
0x22: {  	[tilespmem:s13], [sflag:$0x1] =	stream.indirect_vreg.gather [hbm4b:s4+s3], $0x80, v4, vm0, $0xb8;
	[tilespmem:$0x8080] =	vst v63  }
0x23: {  	v3 =	vadd.s32 v1, v3  }
0x24: {  	[tilespmem:s14], [sflag:$0x1] =	stream.indirect_vreg.gather [hbm4b:s5+s3], $0x80, v4, vm0, $0xb8;
	[tilespmem:$0x8080] =	vst v63  }
0x25: {  	_ = 	snop  }
0x26: {  	[tilespmem:s15], [sflag:$0x1] =	stream.indirect_vreg.gather [hbm4b:s6+s3], $0x80, v4, vm0, $0xb8;
	[tilespmem:$0x8080] =	vst v63  }
0x27: {  	_ = 	snop  }
0x28: {  	[tilespmem:s16], [sflag:$0x1] =	stream.indirect_vreg.gather [hbm4b:s2+s3], $0x80, v3, vm0, $0xb8;
	[tilespmem:$0x8080] =	vst v63  }
0x29: {  	_ = 	snop  }
0x2a: {  	[tilespmem:s17], [sflag:$0x1] =	stream.indirect_vreg.gather [hbm4b:s4+s3], $0x80, v3, vm0, $0xb8;
	[tilespmem:$0x8080] =	vst v63  }
0x2b: {  	_ = 	snop  }
0x2c: {  	[tilespmem:s18], [sflag:$0x1] =	stream.indirect_vreg.gather [hbm4b:s5+s3], $0x80, v3, vm0, $0xb8;
	[tilespmem:$0x8080] =	vst v63  }
0x2d: {  	_ = 	snop  }
0x2e: {  	[tilespmem:s19], [sflag:$0x1] =	stream.indirect_vreg.gather [hbm4b:s6+s3], $0x80, v3, vm0, $0xb8;
	[tilespmem:$0x8080] =	vst v63  }
0x2f: {  	_ =	swait.ge [sflag:s20], $0x4000  }
0x30: {  	[sflag:s20] =	ssyncset.done $0x0  }
0x31: {  	[sflag:s20] =	ssyncadd.s32 $0xFFFFC000  }
0x32: {  	v3 =	vld [tilespmem:$0x10];
	_ =	sdelay $0x4  }
0x33: {  	v57 =	vshll.u32 v3, $0x3  }
0x34: {  	v3 =	vand.u32 $0x7, v3;
	v4 =	vand.u32 $0xFFFFFFC0, v57  }
0x35: {  	v3 =	vor.u32 v3, v4  }
0x36: {  	v4 =	vperm.xlane v3, v0;
	_ =	sdelay $0x1  }
0x37: {  	v4 =	vadd.s32 v1, v4;
	_ =	sdelay $0x4  }
0x38: {  	[tilespmem:s21], [sflag:$0x2] =	stream.indirect_vreg.gather [hbm4b:s2+s3], $0x80, v4, vm0, $0xb8;
	[tilespmem:$0x8080] =	vst v63  }
0x39: {  	v3 =	vperm.xlane v3, v2  }
0x3a: {  	[tilespmem:s22], [sflag:$0x2] =	stream.indirect_vreg.gather [hbm4b:s4+s3], $0x80, v4, vm0, $0xb8;
	[tilespmem:$0x8080] =	vst v63  }
0x3b: {  	v3 =	vadd.s32 v1, v3  }
0x3c: {  	[tilespmem:s23], [sflag:$0x2] =	stream.indirect_vreg.gather [hbm4b:s5+s3], $0x80, v4, vm0, $0xb8;
	[tilespmem:$0x8080] =	vst v63  }
0x3d: {  	_ = 	snop  }
0x3e: {  	[tilespmem:s24], [sflag:$0x2] =	stream.indirect_vreg.gather [hbm4b:s6+s3], $0x80, v4, vm0, $0xb8;
	[tilespmem:$0x8080] =	vst v63  }
0x3f: {  	_ = 	snop  }
0x40: {  	[tilespmem:s25], [sflag:$0x2] =	stream.indirect_vreg.gather [hbm4b:s2+s3], $0x80, v3, vm0, $0xb8;
	[tilespmem:$0x8080] =	vst v63  }
0x41: {  	_ = 	snop  }
0x42: {  	[tilespmem:s26], [sflag:$0x2] =	stream.indirect_vreg.gather [hbm4b:s4+s3], $0x80, v3, vm0, $0xb8;
	[tilespmem:$0x8080] =	vst v63  }
0x43: {  	_ = 	snop  }
0x44: {  	[tilespmem:s28], [sflag:$0x2] =	stream.indirect_vreg.gather [hbm4b:s5+s3], $0x80, v3, vm0, $0xb8;
	[tilespmem:$0x8080] =	vst v63  }
0x45: {  	_ = 	snop  }
0x46: {  	[tilespmem:s29], [sflag:$0x2] =	stream.indirect_vreg.gather [hbm4b:s6+s3], $0x80, v3, vm0, $0xb8;
	[tilespmem:$0x8080] =	vst v63  }
0x47: {  	s0 =	rddreg [dreg:$0x5]  }
0x48: {  	[hbm4b:s0+s3] =	stream.linear.scatter [tilespmem:s12], [sflag:$0x3], $0x4000, $0x38;
	[tilespmem:$0x8080] =	vst v63  }
0x49: {  	_ =	swait.ge [sflag:s30], $0x4000  }
0x4a: {  	[sflag:s30] =	ssyncset.done $0x0  }
0x4b: {  	[sflag:s30] =	ssyncadd.s32 $0xFFFFC000  }
0x4c: {  	_ =	swait.ge [sflag:s31], $0x4000  }
0x4d: {  	[sflag:s31] =	ssyncset.done $0x0  }
0x4e: {  	[sflag:s31] =	ssyncadd.s32 $0xFFFFC000  }
0x4f: {  	v3 =	vld [tilespmem:$0x20];
	_ =	sdelay $0x4  }
0x50: {  	v58 =	vshll.u32 v3, $0x3  }
0x51: {  	v3 =	vand.u32 $0x7, v3;
	v4 =	vand.u32 $0xFFFFFFC0, v58  }
0x52: {  	v3 =	vor.u32 v3, v4  }
0x53: {  	v4 =	vperm.xlane v3, v0;
	_ =	sdelay $0x1  }
0x54: {  	v4 =	vadd.s32 v1, v4;
	_ =	sdelay $0x4  }
0x55: {  	[tilespmem:s12], [sflag:$0x1] =	stream.indirect_vreg.gather [hbm4b:s2+s3], $0x80, v4, vm0, $0xb8;
	[tilespmem:$0x8080] =	vst v63  }
0x56: {  	v3 =	vperm.xlane v3, v2  }
0x57: {  	[tilespmem:s13], [sflag:$0x1] =	stream.indirect_vreg.gather [hbm4b:s4+s3], $0x80, v4, vm0, $0xb8;
	[tilespmem:$0x8080] =	vst v63  }
0x58: {  	v3 =	vadd.s32 v1, v3  }
0x59: {  	[tilespmem:s14], [sflag:$0x1] =	stream.indirect_vreg.gather [hbm4b:s5+s3], $0x80, v4, vm0, $0xb8;
	[tilespmem:$0x8080] =	vst v63  }
0x5a: {  	_ = 	snop  }
0x5b: {  	[tilespmem:s15], [sflag:$0x1] =	stream.indirect_vreg.gather [hbm4b:s6+s3], $0x80, v4, vm0, $0xb8;
	[tilespmem:$0x8080] =	vst v63  }
0x5c: {  	_ = 	snop  }
0x5d: {  	[tilespmem:s16], [sflag:$0x1] =	stream.indirect_vreg.gather [hbm4b:s2+s3], $0x80, v3, vm0, $0xb8;
	[tilespmem:$0x8080] =	vst v63  }
0x5e: {  	_ = 	snop  }
0x5f: {  	[tilespmem:s17], [sflag:$0x1] =	stream.indirect_vreg.gather [hbm4b:s4+s3], $0x80, v3, vm0, $0xb8;
	[tilespmem:$0x8080] =	vst v63  }
0x60: {  	_ = 	snop  }
0x61: {  	[tilespmem:s18], [sflag:$0x1] =	stream.indirect_vreg.gather [hbm4b:s5+s3], $0x80, v3, vm0, $0xb8;
	[tilespmem:$0x8080] =	vst v63  }
0x62: {  	_ = 	snop  }
0x63: {  	[tilespmem:s19], [sflag:$0x1] =	stream.indirect_vreg.gather [hbm4b:s6+s3], $0x80, v3, vm0, $0xb8;
	[tilespmem:$0x8080] =	vst v63  }
0x64: {  	s0 =	rddreg [dreg:$0x6]  }
0x65: {  	[hbm4b:s0+s3] =	stream.linear.scatter [tilespmem:s21], [sflag:$0x4], $0x4000, $0x38;
	[tilespmem:$0x8080] =	vst v63  }
0x66: {  	_ =	swait.ge [sflag:s20], $0x4000  }
0x67: {  	[sflag:s20] =	ssyncset.done $0x0  }
0x68: {  	[sflag:s20] =	ssyncadd.s32 $0xFFFFC000  }
0x69: {  	_ =	swait.ge [sflag:s1], $0x4000  }
0x6a: {  	[sflag:s1] =	ssyncset.done $0x0  }
0x6b: {  	[sflag:s1] =	ssyncadd.s32 $0xFFFFC000  }
0x6c: {  	v3 =	vld [tilespmem:$0x30];
	_ =	sdelay $0x4  }
0x6d: {  	v59 =	vshll.u32 v3, $0x3  }
0x6e: {  	v3 =	vand.u32 $0x7, v3;
	v4 =	vand.u32 $0xFFFFFFC0, v59  }
0x6f: {  	v3 =	vor.u32 v3, v4  }
0x70: {  	v4 =	vperm.xlane v3, v0;
	_ =	sdelay $0x1  }
0x71: {  	v4 =	vadd.s32 v1, v4;
	_ =	sdelay $0x4  }
0x72: {  	[tilespmem:s21], [sflag:$0x2] =	stream.indirect_vreg.gather [hbm4b:s2+s3], $0x80, v4, vm0, $0xb8;
	[tilespmem:$0x8080] =	vst v63  }
0x73: {  	v3 =	vperm.xlane v3, v2  }
0x74: {  	[tilespmem:s22], [sflag:$0x2] =	stream.indirect_vreg.gather [hbm4b:s4+s3], $0x80, v4, vm0, $0xb8;
	[tilespmem:$0x8080] =	vst v63  }
0x75: {  	v3 =	vadd.s32 v1, v3  }
0x76: {  	[tilespmem:s23], [sflag:$0x2] =	stream.indirect_vreg.gather [hbm4b:s5+s3], $0x80, v4, vm0, $0xb8;
	[tilespmem:$0x8080] =	vst v63  }
0x77: {  	_ = 	snop  }
0x78: {  	[tilespmem:s24], [sflag:$0x2] =	stream.indirect_vreg.gather [hbm4b:s6+s3], $0x80, v4, vm0, $0xb8;
	[tilespmem:$0x8080] =	vst v63  }
0x79: {  	_ = 	snop  }
0x7a: {  	[tilespmem:s25], [sflag:$0x2] =	stream.indirect_vreg.gather [hbm4b:s2+s3], $0x80, v3, vm0, $0xb8;
	[tilespmem:$0x8080] =	vst v63  }
0x7b: {  	_ = 	snop  }
0x7c: {  	[tilespmem:s26], [sflag:$0x2] =	stream.indirect_vreg.gather [hbm4b:s4+s3], $0x80, v3, vm0, $0xb8;
	[tilespmem:$0x8080] =	vst v63  }
0x7d: {  	_ = 	snop  }
0x7e: {  	[tilespmem:s28], [sflag:$0x2] =	stream.indirect_vreg.gather [hbm4b:s5+s3], $0x80, v3, vm0, $0xb8;
	[tilespmem:$0x8080] =	vst v63  }
0x7f: {  	_ = 	snop  }
0x80: {  	[tilespmem:s29], [sflag:$0x2] =	stream.indirect_vreg.gather [hbm4b:s6+s3], $0x80, v3, vm0, $0xb8;
	[tilespmem:$0x8080] =	vst v63  }
0x81: {  	s0 =	rddreg [dreg:$0x7]  }
0x82: {  	[hbm4b:s0+s3] =	stream.linear.scatter [tilespmem:s12], [sflag:$0x3], $0x4000, $0x38;
	[tilespmem:$0x8080] =	vst v63  }
0x83: {  	_ =	swait.ge [sflag:s30], $0x4000  }
0x84: {  	[sflag:s30] =	ssyncset.done $0x0  }
0x85: {  	[sflag:s30] =	ssyncadd.s32 $0xFFFFC000  }
0x86: {  	_ =	swait.ge [sflag:s31], $0x4000  }
0x87: {  	[sflag:s31] =	ssyncset.done $0x0  }
0x88: {  	[sflag:s31] =	ssyncadd.s32 $0xFFFFC000  }
0x89: {  	v3 =	vld [tilespmem:$0x40];
	_ =	sdelay $0x4  }
0x8a: {  	v60 =	vshll.u32 v3, $0x3  }
0x8b: {  	v3 =	vand.u32 $0x7, v3;
	v4 =	vand.u32 $0xFFFFFFC0, v60  }
0x8c: {  	v3 =	vor.u32 v3, v4  }
0x8d: {  	v4 =	vperm.xlane v3, v0;
	_ =	sdelay $0x1  }
0x8e: {  	v4 =	vadd.s32 v1, v4;
	_ =	sdelay $0x4  }
0x8f: {  	[tilespmem:s12], [sflag:$0x1] =	stream.indirect_vreg.gather [hbm4b:s2+s3], $0x80, v4, vm0, $0xb8;
	[tilespmem:$0x8080] =	vst v63  }
0x90: {  	v3 =	vperm.xlane v3, v2  }
0x91: {  	[tilespmem:s13], [sflag:$0x1] =	stream.indirect_vreg.gather [hbm4b:s4+s3], $0x80, v4, vm0, $0xb8;
	[tilespmem:$0x8080] =	vst v63  }
0x92: {  	v3 =	vadd.s32 v1, v3  }
0x93: {  	[tilespmem:s14], [sflag:$0x1] =	stream.indirect_vreg.gather [hbm4b:s5+s3], $0x80, v4, vm0, $0xb8;
	[tilespmem:$0x8080] =	vst v63  }
0x94: {  	_ = 	snop  }
0x95: {  	[tilespmem:s15], [sflag:$0x1] =	stream.indirect_vreg.gather [hbm4b:s6+s3], $0x80, v4, vm0, $0xb8;
	[tilespmem:$0x8080] =	vst v63  }
0x96: {  	_ = 	snop  }
0x97: {  	[tilespmem:s16], [sflag:$0x1] =	stream.indirect_vreg.gather [hbm4b:s2+s3], $0x80, v3, vm0, $0xb8;
	[tilespmem:$0x8080] =	vst v63  }
0x98: {  	_ = 	snop  }
0x99: {  	[tilespmem:s17], [sflag:$0x1] =	stream.indirect_vreg.gather [hbm4b:s4+s3], $0x80, v3, vm0, $0xb8;
	[tilespmem:$0x8080] =	vst v63  }
0x9a: {  	_ = 	snop  }
0x9b: {  	[tilespmem:s18], [sflag:$0x1] =	stream.indirect_vreg.gather [hbm4b:s5+s3], $0x80, v3, vm0, $0xb8;
	[tilespmem:$0x8080] =	vst v63  }
0x9c: {  	_ = 	snop  }
0x9d: {  	[tilespmem:s19], [sflag:$0x1] =	stream.indirect_vreg.gather [hbm4b:s6+s3], $0x80, v3, vm0, $0xb8;
	[tilespmem:$0x8080] =	vst v63  }
0x9e: {  	s0 =	rddreg [dreg:$0x8]  }
0x9f: {  	[hbm4b:s0+s3] =	stream.linear.scatter [tilespmem:s21], [sflag:$0x4], $0x4000, $0x38;
	[tilespmem:$0x8080] =	vst v63  }
0xa0: {  	_ =	swait.ge [sflag:s20], $0x4000  }
0xa1: {  	[sflag:s20] =	ssyncset.done $0x0  }
0xa2: {  	[sflag:s20] =	ssyncadd.s32 $0xFFFFC000  }
0xa3: {  	_ =	swait.ge [sflag:s1], $0x4000  }
0xa4: {  	[sflag:s1] =	ssyncset.done $0x0  }
0xa5: {  	[sflag:s1] =	ssyncadd.s32 $0xFFFFC000  }
0xa6: {  	v3 =	vld [tilespmem:$0x50];
	_ =	sdelay $0x4  }
0xa7: {  	v61 =	vshll.u32 v3, $0x3  }
0xa8: {  	v3 =	vand.u32 $0x7, v3;
	v4 =	vand.u32 $0xFFFFFFC0, v61  }
0xa9: {  	v3 =	vor.u32 v3, v4  }
0xaa: {  	v4 =	vperm.xlane v3, v0;
	_ =	sdelay $0x1  }
0xab: {  	v4 =	vadd.s32 v1, v4;
	_ =	sdelay $0x4  }
0xac: {  	[tilespmem:s21], [sflag:$0x2] =	stream.indirect_vreg.gather [hbm4b:s2+s3], $0x80, v4, vm0, $0xb8;
	[tilespmem:$0x8080] =	vst v63  }
0xad: {  	v3 =	vperm.xlane v3, v2  }
0xae: {  	[tilespmem:s22], [sflag:$0x2] =	stream.indirect_vreg.gather [hbm4b:s4+s3], $0x80, v4, vm0, $0xb8;
	[tilespmem:$0x8080] =	vst v63  }
0xaf: {  	v3 =	vadd.s32 v1, v3  }
0xb0: {  	[tilespmem:s23], [sflag:$0x2] =	stream.indirect_vreg.gather [hbm4b:s5+s3], $0x80, v4, vm0, $0xb8;
	[tilespmem:$0x8080] =	vst v63  }
0xb1: {  	_ = 	snop  }
0xb2: {  	[tilespmem:s24], [sflag:$0x2] =	stream.indirect_vreg.gather [hbm4b:s6+s3], $0x80, v4, vm0, $0xb8;
	[tilespmem:$0x8080] =	vst v63  }
0xb3: {  	_ = 	snop  }
0xb4: {  	[tilespmem:s25], [sflag:$0x2] =	stream.indirect_vreg.gather [hbm4b:s2+s3], $0x80, v3, vm0, $0xb8;
	[tilespmem:$0x8080] =	vst v63  }
0xb5: {  	_ = 	snop  }
0xb6: {  	[tilespmem:s26], [sflag:$0x2] =	stream.indirect_vreg.gather [hbm4b:s4+s3], $0x80, v3, vm0, $0xb8;
	[tilespmem:$0x8080] =	vst v63  }
0xb7: {  	_ = 	snop  }
0xb8: {  	[tilespmem:s28], [sflag:$0x2] =	stream.indirect_vreg.gather [hbm4b:s5+s3], $0x80, v3, vm0, $0xb8;
	[tilespmem:$0x8080] =	vst v63  }
0xb9: {  	_ = 	snop  }
0xba: {  	[tilespmem:s29], [sflag:$0x2] =	stream.indirect_vreg.gather [hbm4b:s6+s3], $0x80, v3, vm0, $0xb8;
	[tilespmem:$0x8080] =	vst v63  }
0xbb: {  	s0 =	rddreg [dreg:$0x9]  }
0xbc: {  	[hbm4b:s0+s3] =	stream.linear.scatter [tilespmem:s12], [sflag:$0x3], $0x4000, $0x38;
	[tilespmem:$0x8080] =	vst v63  }
0xbd: {  	_ =	swait.ge [sflag:s30], $0x4000  }
0xbe: {  	[sflag:s30] =	ssyncset.done $0x0  }
0xbf: {  	[sflag:s30] =	ssyncadd.s32 $0xFFFFC000  }
0xc0: {  	_ =	swait.ge [sflag:s31], $0x4000  }
0xc1: {  	[sflag:s31] =	ssyncset.done $0x0  }
0xc2: {  	[sflag:s31] =	ssyncadd.s32 $0xFFFFC000  }
0xc3: {  	v3 =	vld [tilespmem:$0x60];
	_ =	sdelay $0x4  }
0xc4: {  	v62 =	vshll.u32 v3, $0x3  }
0xc5: {  	v3 =	vand.u32 $0x7, v3;
	v4 =	vand.u32 $0xFFFFFFC0, v62  }
0xc6: {  	v3 =	vor.u32 v3, v4  }
0xc7: {  	v4 =	vperm.xlane v3, v0;
	_ =	sdelay $0x1  }
0xc8: {  	v4 =	vadd.s32 v1, v4;
	_ =	sdelay $0x4  }
0xc9: {  	[tilespmem:s12], [sflag:$0x1] =	stream.indirect_vreg.gather [hbm4b:s2+s3], $0x80, v4, vm0, $0xb8;
	[tilespmem:$0x8080] =	vst v63  }
0xca: {  	v3 =	vperm.xlane v3, v2  }
0xcb: {  	[tilespmem:s13], [sflag:$0x1] =	stream.indirect_vreg.gather [hbm4b:s4+s3], $0x80, v4, vm0, $0xb8;
	[tilespmem:$0x8080] =	vst v63  }
0xcc: {  	v3 =	vadd.s32 v1, v3  }
0xcd: {  	[tilespmem:s14], [sflag:$0x1] =	stream.indirect_vreg.gather [hbm4b:s5+s3], $0x80, v4, vm0, $0xb8;
	[tilespmem:$0x8080] =	vst v63  }
0xce: {  	_ = 	snop  }
0xcf: {  	[tilespmem:s15], [sflag:$0x1] =	stream.indirect_vreg.gather [hbm4b:s6+s3], $0x80, v4, vm0, $0xb8;
	[tilespmem:$0x8080] =	vst v63  }
0xd0: {  	_ = 	snop  }
0xd1: {  	[tilespmem:s16], [sflag:$0x1] =	stream.indirect_vreg.gather [hbm4b:s2+s3], $0x80, v3, vm0, $0xb8;
	[tilespmem:$0x8080] =	vst v63  }
0xd2: {  	_ = 	snop  }
0xd3: {  	[tilespmem:s17], [sflag:$0x1] =	stream.indirect_vreg.gather [hbm4b:s4+s3], $0x80, v3, vm0, $0xb8;
	[tilespmem:$0x8080] =	vst v63  }
0xd4: {  	_ = 	snop  }
0xd5: {  	[tilespmem:s18], [sflag:$0x1] =	stream.indirect_vreg.gather [hbm4b:s5+s3], $0x80, v3, vm0, $0xb8;
	[tilespmem:$0x8080] =	vst v63  }
0xd6: {  	_ = 	snop  }
0xd7: {  	[tilespmem:s19], [sflag:$0x1] =	stream.indirect_vreg.gather [hbm4b:s6+s3], $0x80, v3, vm0, $0xb8;
	[tilespmem:$0x8080] =	vst v63  }
0xd8: {  	_ = 	snop  }
0xd9: {  	[hbm4b:s8+s3] =	stream.linear.scatter [tilespmem:s21], [sflag:$0x4], $0x4000, $0x38;
	[tilespmem:$0x8080] =	vst v63  }
0xda: {  	_ =	swait.ge [sflag:s20], $0x4000  }
0xdb: {  	[sflag:s20] =	ssyncset.done $0x0  }
0xdc: {  	[sflag:s20] =	ssyncadd.s32 $0xFFFFC000  }
0xdd: {  	_ =	swait.ge [sflag:s1], $0x4000  }
0xde: {  	[sflag:s1] =	ssyncset.done $0x0  }
0xdf: {  	[sflag:s1] =	ssyncadd.s32 $0xFFFFC000  }
0xe0: {  	v3 =	vld [tilespmem:$0x70];
	_ =	sdelay $0x4  }
0xe1: {  	v63 =	vshll.u32 v3, $0x3  }
0xe2: {  	v3 =	vand.u32 $0x7, v3;
	v4 =	vand.u32 $0xFFFFFFC0, v63  }
0xe3: {  	v3 =	vor.u32 v3, v4  }
0xe4: {  	v4 =	vperm.xlane v3, v0;
	_ =	sdelay $0x1  }
0xe5: {  	v4 =	vadd.s32 v1, v4;
	_ =	sdelay $0x4  }
0xe6: {  	[tilespmem:s21], [sflag:$0x2] =	stream.indirect_vreg.gather [hbm4b:s2+s3], $0x80, v4, vm0, $0xb8;
	[tilespmem:$0x8080] =	vst v63  }
0xe7: {  	v3 =	vperm.xlane v3, v2  }
0xe8: {  	[tilespmem:s22], [sflag:$0x2] =	stream.indirect_vreg.gather [hbm4b:s4+s3], $0x80, v4, vm0, $0xb8;
	[tilespmem:$0x8080] =	vst v63  }
0xe9: {  	v3 =	vadd.s32 v1, v3  }
0xea: {  	[tilespmem:s23], [sflag:$0x2] =	stream.indirect_vreg.gather [hbm4b:s5+s3], $0x80, v4, vm0, $0xb8;
	[tilespmem:$0x8080] =	vst v63  }
0xeb: {  	_ = 	snop  }
0xec: {  	[tilespmem:s24], [sflag:$0x2] =	stream.indirect_vreg.gather [hbm4b:s6+s3], $0x80, v4, vm0, $0xb8;
	[tilespmem:$0x8080] =	vst v63  }
0xed: {  	_ = 	snop  }
0xee: {  	[tilespmem:s25], [sflag:$0x2] =	stream.indirect_vreg.gather [hbm4b:s2+s3], $0x80, v3, vm0, $0xb8;
	[tilespmem:$0x8080] =	vst v63  }
0xef: {  	_ = 	snop  }
0xf0: {  	[tilespmem:s26], [sflag:$0x2] =	stream.indirect_vreg.gather [hbm4b:s4+s3], $0x80, v3, vm0, $0xb8;
	[tilespmem:$0x8080] =	vst v63  }
0xf1: {  	_ = 	snop  }
0xf2: {  	[tilespmem:s28], [sflag:$0x2] =	stream.indirect_vreg.gather [hbm4b:s5+s3], $0x80, v3, vm0, $0xb8;
	[tilespmem:$0x8080] =	vst v63  }
0xf3: {  	_ = 	snop  }
0xf4: {  	[tilespmem:s29], [sflag:$0x2] =	stream.indirect_vreg.gather [hbm4b:s6+s3], $0x80, v3, vm0, $0xb8;
	[tilespmem:$0x8080] =	vst v63  }
0xf5: {  	_ = 	snop  }
0xf6: {  	[hbm4b:s9+s3] =	stream.linear.scatter [tilespmem:s12], [sflag:$0x3], $0x4000, $0x38;
	[tilespmem:$0x8080] =	vst v63  }
0xf7: {  	_ =	swait.ge [sflag:s30], $0x4000  }
0xf8: {  	[sflag:s30] =	ssyncset.done $0x0  }
0xf9: {  	[sflag:s30] =	ssyncadd.s32 $0xFFFFC000  }
0xfa: {  	_ =	swait.ge [sflag:s31], $0x4000  }
0xfb: {  	p0 =	sne.s32 s7, $0x1;
	[sflag:s31] =	ssyncset.done $0x0  }
.Ltmp0:
0xfc: {  	[sflag:s31] =	ssyncadd.s32 $0xFFFFC000;
	(pc) =	sbr.rel @p0 .LBB2_1-.Ltmp0, $4  }
0xfd: {  	[hbm4b:s10+s3] =	stream.linear.scatter [tilespmem:s21], [sflag:$0x4], $0x4000, $0x38;
	[tilespmem:$0x8080] =	vst v63  }
0xfe: {  	_ =	swait.ge [sflag:s1], $0x4000  }
0xff: {  	[sflag:s1] =	ssyncset.done $0x0  }
0x100: {  	s7 =	sadd.s32 $0xFFFFFFFF, s7;
	[sflag:s1] =	ssyncadd.s32 $0xFFFFC000  }
0x101: {  	_ =	sfence.sel $0x180000  }
0x102: {  	[bflag:$0x0] =	sbarrier.arrive $0xFFFF  }
0x103: {  	_ =	strace $0x90000047  }
0x104: {  	s0 =	stileid.u32;
	[bflag:$0x2] =	sbarrier.arrive $0xFFFF  }
0x105: {  	p0 =	sne.s32 s0, $0x0;
	s0 =	rddreg [dreg:$0x3]  }
0x106: {  	s0 =	sadd.s32 @!p0 $0x100000, s0  }
0x107: {  	[sflag:s0] =	ssyncadd.tile.s32 @!p0 $0x1;
	_ =	shalt  }
.Lfunc_end2:
_tile_overlayer_lowered:
.L_overlay_start_2:
0x108: {  	(tag) =	ssettag $0x2  }
0x109: {  	s0 =	rddreg [dreg:$0x0];
	s2 =	stileid.u32  }
0x10a: {  	s1 =	rddreg [dreg:$0x1];
	p0 =	sne.s32 s2, $0x0  }
0x10b: {  	s3 =	rddreg [dreg:$0x2];
	[bflag:$0x3] =	sbarrier.arrive $0xFFFF;
	s2 =	simm.s32 @!p0 $0x1C05  }
0x10c: {  	[timem:s3], [sflag:s2] =	dma.local @!p0 [hbm:s0], s1  }
0x10d: {  	s0 =	simm.s32 @!p0 $0x5  }
0x10e: {  	_ =	swait.ge @!p0 [sflag:s0], s1  }
0x10f: {  	s1 =	ssub.s32 @!p0 $0x0, s1;
	[sflag:s0] =	ssyncset.done @!p0 $0x0  }
0x110: {  	[sflag:s0] =	ssyncadd.s32 @!p0 s1  }
0x111: {  	[bflag:$0x3] =	sbarrier.arrive $0xFFFF  }
0x112: {  	_ =	shalt  }

// kernel: kernel.9.cloned.1.call-start
scs
__scs_entry_jumppad:
0x0: {  	(pc) =	sbr.rel $0x88, $3  }
0x1: {  	(tag) =	ssettag $0x0;
	lr =	simm.s32 $0x1  }
0x2: {  	[smem:$0x3F9A] =	sst lr;
	_ =	strace $0xD0000000  }
0x3: {  	_ = 	snop  }
0x4: {  	_ = 	snop  }
0x5: {  	_ = 	snop  }
0x6: {  	_ = 	snop  }
0x7: {  	_ = 	snop  }
__scs_overlays_trampoline_lowered:
0x8: {  	[smem:$0x3FA9] =	sst s0  }
0x9: {  	[smem:$0x3FAA] =	sst s1  }
0xa: {  	[smem:$0x3FAB] =	sst s2  }
0xb: {  	[smem:$0x3FAC] =	sst s3  }
0xc: {  	[smem:$0x3FAD] =	sst s4  }
0xd: {  	[smem:$0x3FAE] =	sst s5  }
0xe: {  	[smem:$0x3FAF] =	sst s6  }
0xf: {  	[smem:$0x3FB0] =	sst s7  }
0x10: {  	[smem:$0x3FB1] =	sst s8  }
0x11: {  	[smem:$0x3FB2] =	sst s9;
	s0 =	simm.s32 @!p0 $0x0  }
0x12: {  	s1 =	sld [smem:$0x3F98];
	s0 =	simm.s32 @p0 $0x1  }
0x13: {  	[smem:$0x3FB3] =	sst s0;
	s0 =	simm.s32 @!p1 $0x0  }
0x14: {  	s2 =	sld [smem:$0x3F97];
	s0 =	simm.s32 @p1 $0x1  }
0x15: {  	[smem:$0x3FB4] =	sst s0;
	s0 =	simm.s32 @!p2 $0x0  }
0x16: {  	s3 =	sld [smem:$0x3FDB];
	s0 =	simm.s32 @p2 $0x1  }
0x17: {  	s4 =	simm.s32 $0x1BF5;
	[smem:$0x3FB6] =	sst s0  }
0x18: {  	s0 =	sld [smem:$0x3F99];
	_ =	swait.ge [sflag:s4], $0x0  }
0x19: {  	s7 =	sld [smem:$0x3F9A]  }
0x1a: {  	s8 =	sadd.s32 $0xFFFFE003, lr  }
0x1b: {  	s9 =	sadd.s32 $0xFFFFFEF7, lr;
	s5 =	simm.s32 $0xFFFFFFFF;
	p2 =	slt.u32 s8, $0xFFFFF086  }
0x1c: {  	p1 =	slt.u32 s9, $0xF7A;
	s5 =	simm.s32 @!p2 $0x0  }
0x1d: {  	s5 =	simm.s32 @p1 $0x1;
	p0 =	seq.s32 s7, s2  }
0x1e: {  	s7 =	smul.u32 @!p0 $0xF7A, s2;
	p2 =	seq.s32 @!p0 s5, $0x0  }
0x1f: {  	s9 =	smul.u32 $0xF7A, s1;
	s8 =	simm.s32 @!p0 $0x1BF5;
	p2 =	por !p2, p0  }
0x20: {  	[sflag:s8] =	ssyncset.s32 @!p0 $0xFFFFF086;
	s6 =	sadd.s32 @!p0 s3, s7;
	s7 =	simm.s32 @!p0 $0x108  }
0x21: {  	s3 =	sadd.s32 s3, s9;
	s6 =	sadd.s32 @!p0 $0x88, s6;
	s7 =	simm.s32 @p2 $0x1082  }
0x22: {  	[simem:s7], [sflag:s8] =	dma.local @!p0 [hbm:s6], $0xF7A  }
0x23: {  	s9 =	sor.u32 $0xD0000000, s2;
	s6 =	simm.s32 $0x108;
	_ =	swait.ge @!p0 [sflag:s8], $0x0  }
0x24: {  	s3 =	sadd.s32 $0x88, s3;
	s6 =	simm.s32 @!p1 $0x1082;
	[sflag:s4] =	ssyncset.s32 $0xFFFFF086  }
0x25: {  	[simem:s6], [sflag:s4] =	dma.local [hbm:s3], $0xF7A  }
0x26: {  	[smem:$0x3F9A] =	sst s1;
	(tag) =	ssettag s2;
	_ =	strace s9  }
0x27: {  	s1 =	sld [smem:$0x3FAA]  }
0x28: {  	s2 =	sld [smem:$0x3FAB]  }
0x29: {  	s4 =	sld [smem:$0x3FAD]  }
0x2a: {  	p0 =	seq.s32 s5, $0x0;
	s5 =	sld [smem:$0x3FAE]  }
0x2b: {  	s6 =	sld [smem:$0x3FAF]  }
0x2c: {  	s7 =	sld [smem:$0x3FB0]  }
0x2d: {  	s3 =	simm.s32 $0x108;
	s8 =	sld [smem:$0x3FB1]  }
0x2e: {  	s3 =	simm.s32 @!p0 $0x1082;
	s9 =	sld [smem:$0x3FB2]  }
0x2f: {  	lr =	sadd.s32 s0, s3;
	s0 =	sld [smem:$0x3FA9]  }
0x30: {  	s3 =	sld [smem:$0x3FAC]  }
0x31: {  	[smem:$0x3FB5] =	sst s10  }
0x32: {  	s10 =	sld [smem:$0x3FB3];
	_ =	sdelay $0x3  }
0x33: {  	p0 =	seq.s32 s10, $0x1;
	s10 =	sld [smem:$0x3FB5];
	_ =	sdelay $0x3  }
0x34: {  	[smem:$0x3FB5] =	sst s10  }
0x35: {  	s10 =	sld [smem:$0x3FB4];
	_ =	sdelay $0x3  }
0x36: {  	p1 =	seq.s32 s10, $0x1;
	s10 =	sld [smem:$0x3FB5];
	_ =	sdelay $0x3  }
0x37: {  	[smem:$0x3FB5] =	sst s10  }
0x38: {  	s10 =	sld [smem:$0x3FB6]  }
0x39: {  	_ = 	snop;
	(pc) =	sbr.ind lr, $3  }
0x3a: {  	_ = 	snop  }
0x3b: {  	_ = 	snop  }
0x3c: {  	p2 =	seq.s32 s10, $0x1;
	s10 =	sld [smem:$0x3FB5]  }
0x3d: {  	_ =	shalt  }
0x3e: {  	_ =	shalt  }
0x3f: {  	_ =	shalt  }
0x40: {  	_ =	shalt  }
0x41: {  	_ =	shalt  }
0x42: {  	_ =	shalt  }
0x43: {  	_ =	shalt  }
0x44: {  	_ =	shalt  }
0x45: {  	_ =	shalt  }
0x46: {  	_ =	shalt  }
0x47: {  	_ =	shalt  }
0x48: {  	_ =	shalt  }
0x49: {  	_ =	shalt  }
0x4a: {  	_ =	shalt  }
0x4b: {  	_ =	shalt  }
0x4c: {  	_ =	shalt  }
0x4d: {  	_ =	shalt  }
0x4e: {  	_ =	shalt  }
0x4f: {  	_ =	shalt  }
0x50: {  	_ =	shalt  }
0x51: {  	_ =	shalt  }
0x52: {  	_ =	shalt  }
0x53: {  	_ =	shalt  }
0x54: {  	_ =	shalt  }
0x55: {  	_ =	shalt  }
0x56: {  	_ =	shalt  }
0x57: {  	_ =	shalt  }
0x58: {  	_ =	shalt  }
0x59: {  	_ =	shalt  }
0x5a: {  	_ =	shalt  }
0x5b: {  	_ =	shalt  }
0x5c: {  	_ =	shalt  }
0x5d: {  	_ =	shalt  }
0x5e: {  	_ =	shalt  }
0x5f: {  	_ =	shalt  }
0x60: {  	_ =	shalt  }
0x61: {  	_ =	shalt  }
0x62: {  	_ =	shalt  }
0x63: {  	_ =	shalt  }
0x64: {  	_ =	shalt  }
0x65: {  	_ =	shalt  }
0x66: {  	_ =	shalt  }
0x67: {  	_ =	shalt  }
0x68: {  	_ =	shalt  }
0x69: {  	_ =	shalt  }
0x6a: {  	_ =	shalt  }
0x6b: {  	_ =	shalt  }
0x6c: {  	_ =	shalt  }
0x6d: {  	_ =	shalt  }
0x6e: {  	_ =	shalt  }
0x6f: {  	_ =	shalt  }
0x70: {  	_ =	shalt  }
0x71: {  	_ =	shalt  }
0x72: {  	_ =	shalt  }
0x73: {  	_ =	shalt  }
0x74: {  	_ =	shalt  }
0x75: {  	_ =	shalt  }
0x76: {  	_ =	shalt  }
0x77: {  	_ =	shalt  }
0x78: {  	_ =	shalt  }
0x79: {  	_ =	shalt  }
0x7a: {  	_ =	shalt  }
0x7b: {  	_ =	shalt  }
0x7c: {  	_ =	shalt  }
0x7d: {  	_ =	shalt  }
0x7e: {  	_ =	shalt  }
0x7f: {  	_ =	shalt  }
0x80: {  	_ =	shalt  }
0x81: {  	_ =	shalt  }
0x82: {  	_ =	shalt  }
0x83: {  	_ =	shalt  }
0x84: {  	_ =	shalt  }
0x85: {  	_ =	shalt  }
0x86: {  	_ =	shalt  }
0x87: {  	_ =	shalt  }
.Lfunc_end0:
.L_simem_size_0:
called_computation.1_lowered:
.L_overlay_start_0:
0x88: {  	s2 =	sld [smem:$0x3FD9]  }
0x89: {  	s3 =	sld [smem:$0x3FFE];
	_ =	sdelay $0x1  }
0x8a: {  	s1 =	srdreg.scid  }
0x8b: {  	s0 =	sand.u32 $0x1, s1  }
0x8c: {  	s17 =	sshll.u32 s0, $0xA;
	s2 =	sadd.s32 s3, s2  }
0x8d: {  	s2 =	sadd.s32 s2, s17  }
0x8e: {  	[smem:$0x3FC1] =	sst s2  }
0x8f: {  	_ = 	snop  }
0x90: {  	s18 =	sld [smem:$0x3FC7];
	(tm) =	ssettm $0x1  }
0x91: {  	s19 =	sld [smem:$0x3FFB];
	_ =	sdelay $0x3  }
0x92: {  	_ =	strace s19  }
0x93: {  	s2 =	sld [smem:$0x3FFC];
	_ =	sdelay $0x3  }
0x94: {  	_ =	strace s2  }
0x95: {  	s2 =	sld [smem:$0x3FFD];
	_ =	sdelay $0x3  }
0x96: {  	_ =	strace s2  }
0x97: {  	_ =	strace $0x8FFFFFFF  }
0x98: {  	s20 =	sld [smem:$0x3FDB];
	_ =	sdelay $0x1  }
0x99: {  	s4 =	simm.s32 $_scs_section_size  }
0x9a: {  	s5 =	simm.s32 $_size__tile_overlayer_lowered;
	s6 =	simm.s32 $_tile_overlayer_lowered  }
0x9b: {  	s7 =	simm.s32 $0x1BFF;
	s21 =	sshll.u32 s6, $0x1;
	s4 =	sadd.s32 s4, s20  }
0x9c: {  	s22 =	simm.s32 $0x0;
	s5 =	sshll.u32 s5, $0x1;
	s6 =	sadd.s32 s21, s4  }
0x9d: {  	[timem:s22], [sflag:s7] =	dma.local [hbm:s6], s5  }
0x9e: {  	_ =	swait.ge [sflag:s7], s5  }
0x9f: {  	s5 =	ssub.s32 $0x0, s5;
	[sflag:s7] =	ssyncset.done $0x0  }
0xa0: {  	[sflag:s7] =	ssyncadd.s32 s5;
	_ =	sdelay $0x1  }
0xa1: {  	s23 =	simm.s32 $0x1B8B  }
0xa2: {  	_ =	swait.ge [sflag:s23], $0x1  }
0xa3: {  	[sflag:s23] =	ssyncset.done $0x0  }
0xa4: {  	[sflag:s23] =	ssyncadd.s32 $0xFFFFFFFF  }
0xa5: {  	s5 =	sld [smem:$0x0]  }
0xa6: {  	s6 =	sand.u32 $0xFFFFFFFE, s1  }
0xa7: {  	p0 =	sne.s32 s1, s6  }
0xa8: {  	s6 =	sshll.u32 @p0 s6, $0xE  }
0xa9: {  	s6 =	sadd.s32 @p0 $0x11B8D, s6;
	s7 =	sshll.u32 @p0 s5, $0x11  }
0xaa: {  	s6 =	sor.u32 @p0 s7, s6  }
0xab: {  	[sflag:s6] =	ssyncadd.remote.s32 @p0 $0x1;
	_ =	sdelay $0x1  }
0xac: {  	s6 =	simm.s32 @p0 $0x1B8D  }
0xad: {  	_ =	swait.eq @p0 [sflag:s6], $0x1  }
0xae: {  	[sflag:s6] =	ssyncadd.s32 @p0 $0xFFFFFFFF  }
0xaf: {  	s7 =	sshll.u32 @!p0 s1, $0xE  }
0xb0: {  	s7 =	sor.u32 @!p0 $0x4000, s7;
	s6 =	simm.s32 @!p0 $0x1B8D  }
0xb1: {  	s5 =	sshll.u32 @!p0 s5, $0x11;
	s7 =	sadd.s32 @!p0 $0x11B8D, s7;
	_ =	swait.eq @!p0 [sflag:s6], $0x1  }
0xb2: {  	s5 =	sor.u32 @!p0 s5, s7;
	[sflag:s6] =	ssyncadd.s32 @!p0 $0xFFFFFFFF  }
0xb3: {  	s25 =	simm.s32 $0x1B8E;
	s24 =	sld [smem:$0x3FFE];
	[sflag:s5] =	ssyncadd.remote.s32 @!p0 $0x1  }
0xb4: {  	s26 =	simm.s32 $execute0_lowered;
	[smem:$0x3FD2] =	sst s25  }
0xb5: {  	s6 =	sshll.u32 s26, $0x1;
	_ =	strace $0x80000049;
	[dreg:$0x1] =	wrdreg $0xFFFFFFFF  }
0xb6: {  	s28 =	simm.s32 $_size_execute0_lowered;
	s4 =	sadd.s32 s4, s6;
	[dreg:$0x0] =	wrdreg $0x0  }
0xb7: {  	s6 =	sshll.u32 s28, $0x1;
	[dreg:$0x2] =	wrdreg s4  }
0xb8: {  	[dreg:$0x3] =	wrdreg s6  }
0xb9: {  	[dreg:$0x4] =	wrdreg $0xC0  }
0xba: {  	_ =	task [dreg:s22], $0x5FFFF  }
0xbb: {  	[dreg:$0x1] =	wrdreg $0xFFFFFFFF  }
0xbc: {  	[dreg:$0x0] =	wrdreg $0x60  }
0xbd: {  	[dreg:$0x2] =	wrdreg s24  }
0xbe: {  	[dreg:$0x3] =	wrdreg s18  }
0xbf: {  	[dreg:$0x4] =	wrdreg $0xA  }
0xc0: {  	_ =	task.clear_ibuf [dreg:s22], $0x5FFFF;
	_ =	strace $0x90000049  }
0xc1: {  	s29 =	simm.s32 $0xA;
	_ =	strace $0x8000004B  }
0xc2: {  	_ =	swait.ge [sflag:s29], $0x1  }
0xc3: {  	[sflag:s29] =	ssyncadd.s32 $0xFFFFFFFF  }
0xc4: {  	_ =	strace $0x9000004B  }
0xc5: {  	_ =	sfence  }
0xc6: {  	s30 =	sld [smem:$0x0];
	_ =	sdelay $0x2  }
0xc7: {  	s31 =	sshll.u32 s1, $0xD;
	s1 =	sshrl.u32 s1, $0x2  }
0xc8: {  	s4 =	sand.u32 $0x4000, s31;
	s1 =	sadd.s32 s1, s30  }
0xc9: {  	s0 =	sor.u32 s4, s0;
	s1 =	sshll.u32 s1, $0x11  }
0xca: {  	s0 =	sor.u32 s1, s0  }
0xcb: {  	s0 =	sadd.s32 $0x8F2B, s0  }
0xcc: {  	[sflag:s0] =	ssyncadd.remote.s32 $0x1  }
0xcd: {  	_ =	sfence.sel $0xFFFF  }
0xce: {  	[dreg:$0x0] =	wrdreg $0xFFFFFFFF;
	(pc) =	sbr.abs _section_cstart, $3  }
0xcf: {  	[dreg:$0x1] =	wrdreg $0xFFFFFFFF  }
0xd0: {  	_ =	task.clear_ibuf [dreg:s22], $0x2FFFF;
	_ =	strace $0x9FFFFFFF  }
0xd1: {  	(tm) =	ssettm $0x7FFFFFFF  }
tec
execute0_lowered:
.L_overlay_start_1:
0x0: {  	(tag) =	ssettag $0x1  }
0x1: {  	s1 =	srdreg.scid;
	s4 =	rddreg [dreg:$0x0]  }
0x2: {  	s0 =	stileid.u32;
	s2 =	rddreg [dreg:$0x1]  }
0x3: {  	s11 =	simm.s32 $0x5;
	s12 =	simm.s32 $0x80;
	s13 =	simm.s32 $0x880  }
0x4: {  	s14 =	simm.s32 $0x1080;
	s15 =	simm.s32 $0x1880;
	s16 =	simm.s32 $0x2080  }
0x5: {  	s17 =	simm.s32 $0x2880;
	s18 =	simm.s32 $0x3080;
	s19 =	simm.s32 $0x3880  }
0x6: {  	s20 =	simm.s32 $0x1;
	s28 =	simm.s32 $0x7080;
	s29 =	simm.s32 $0x7880  }
0x7: {  	s30 =	simm.s32 $0x2;
	s31 =	simm.s32 $0x3;
	s1 =	sand.u32 $0x1, s1  }
0x8: {  	s3 =	sshll.u32 s0, $0x8;
	s5 =	sshll.u32 s1, $0x7;
	s1 =	ssub.s32 $0x2, s1  }
0x9: {  	s5 =	sor.u32 s5, s3;
	s3 =	simm.s32 $0x0;
	s23 =	sshrl.u32 s1, $0x1  }
0xa: {  	s6 =	sshrl.u32 s5, $0x3;
	[smem:$0x7FF] =	sst s3;
	s5 =	sshll.u32 s5, $0x7  }
0xb: {  	s1 =	ssub.s32 s1, s23;
	s23 =	simm.s32 $0x5080;
	s6 =	sadd.s32 s6, s4  }
0xc: {  	_ =	strace $0x8000004A;
	s10 =	sadd.s32 s5, s4;
	s21 =	sadd.s32 $0x81600, s6  }
0xd: {  	s4 =	sadd.s32 $0x100, s2;
	s22 =	sadd.s32 $0x81800, s10;
	[dreg:$0x3] =	wrdreg s21  }
0xe: {  	s5 =	sadd.s32 $0x200, s2;
	s24 =	sadd.s32 $0x82000, s10;
	[dreg:$0x4] =	wrdreg s22  }
0xf: {  	s7 =	smax.u32 s1, $0x1;
	s25 =	sadd.s32 $0x82800, s10;
	[dreg:$0x5] =	wrdreg s24  }
0x10: {  	s1 =	simm.s32 $0x4;
	s26 =	sadd.s32 $0x83000, s10;
	[dreg:$0x6] =	wrdreg s25  }
0x11: {  	s8 =	sadd.s32 $0x83800, s10;
	s6 =	sadd.s32 $0x300, s2;
	[dreg:$0x7] =	wrdreg s26  }
0x12: {  	v2 =	vlaneseq.u32;
	s9 =	sadd.s32 $0x84800, s10;
	[dreg:$0x8] =	wrdreg s8;
	s8 =	sadd.s32 $0x84000, s10  }
0x13: {  	vm0 =	vmmov $0xffff;
	v1 =	vshrl.u32 v2, $0x3;
	s10 =	sadd.s32 $0x85000, s10;
	s21 =	simm.s32 $0x4080;
	s22 =	simm.s32 $0x4880  }
0x14: {  	v0 =	vand.u32 $0x7, v2;
	v2 =	vor.u32 $0x8, v2;
	v1 =	vmul.u32 $0x8, v1;
	s24 =	simm.s32 $0x5880;
	s25 =	simm.s32 $0x6080;
	s26 =	simm.s32 $0x6880  }
.LBB2_1:
0x15: {  	s0 =	rddreg [dreg:$0x3]  }
0x16: {  	[tilespmem:s3], [sflag:$0x5] =	stream.linear.gather [hbm4b:s0+s3], $0x80, $0x38;
	[tilespmem:$0x8080] =	vst v63  }
0x17: {  	_ =	swait.ge [sflag:s11], $0x80  }
0x18: {  	[sflag:s11] =	ssyncset.done $0x0  }
0x19: {  	[sflag:s11] =	ssyncadd.s32 $0xFFFFFF80  }
0x1a: {  	v3 =	vld [tilespmem:$0x0];
	_ =	sdelay $0x4  }
0x1b: {  	v4 =	vshll.u32 v3, $0x3  }
0x1c: {  	v3 =	vand.u32 $0x7, v3;
	v4 =	vand.u32 $0xFFFFFFC0, v4  }
0x1d: {  	v3 =	vor.u32 v3, v4  }
0x1e: {  	v4 =	vperm.xlane v3, v0;
	_ =	sdelay $0x1  }
0x1f: {  	v4 =	vadd.s32 v1, v4;
	_ =	sdelay $0x4  }
0x20: {  	[tilespmem:s12], [sflag:$0x1] =	stream.indirect_vreg.gather [hbm4b:s2+s3], $0x80, v4, vm0, $0xb8;
	[tilespmem:$0x8080] =	vst v63  }
0x21: {  	v3 =	vperm.xlane v3, v2  }
0x22: {  	[tilespmem:s13], [sflag:$0x1] =	stream.indirect_vreg.gather [hbm4b:s4+s3], $0x80, v4, vm0, $0xb8;
	[tilespmem:$0x8080] =	vst v63  }
0x23: {  	v3 =	vadd.s32 v1, v3  }
0x24: {  	[tilespmem:s14], [sflag:$0x1] =	stream.indirect_vreg.gather [hbm4b:s5+s3], $0x80, v4, vm0, $0xb8;
	[tilespmem:$0x8080] =	vst v63  }
0x25: {  	_ = 	snop  }
0x26: {  	[tilespmem:s15], [sflag:$0x1] =	stream.indirect_vreg.gather [hbm4b:s6+s3], $0x80, v4, vm0, $0xb8;
	[tilespmem:$0x8080] =	vst v63  }
0x27: {  	_ = 	snop  }
0x28: {  	[tilespmem:s16], [sflag:$0x1] =	stream.indirect_vreg.gather [hbm4b:s2+s3], $0x80, v3, vm0, $0xb8;
	[tilespmem:$0x8080] =	vst v63  }
0x29: {  	_ = 	snop  }
0x2a: {  	[tilespmem:s17], [sflag:$0x1] =	stream.indirect_vreg.gather [hbm4b:s4+s3], $0x80, v3, vm0, $0xb8;
	[tilespmem:$0x8080] =	vst v63  }
0x2b: {  	_ = 	snop  }
0x2c: {  	[tilespmem:s18], [sflag:$0x1] =	stream.indirect_vreg.gather [hbm4b:s5+s3], $0x80, v3, vm0, $0xb8;
	[tilespmem:$0x8080] =	vst v63  }
0x2d: {  	_ = 	snop  }
0x2e: {  	[tilespmem:s19], [sflag:$0x1] =	stream.indirect_vreg.gather [hbm4b:s6+s3], $0x80, v3, vm0, $0xb8;
	[tilespmem:$0x8080] =	vst v63  }
0x2f: {  	_ =	swait.ge [sflag:s20], $0x4000  }
0x30: {  	[sflag:s20] =	ssyncset.done $0x0  }
0x31: {  	[sflag:s20] =	ssyncadd.s32 $0xFFFFC000  }
0x32: {  	v3 =	vld [tilespmem:$0x10];
	_ =	sdelay $0x4  }
0x33: {  	v57 =	vshll.u32 v3, $0x3  }
0x34: {  	v3 =	vand.u32 $0x7, v3;
	v4 =	vand.u32 $0xFFFFFFC0, v57  }
0x35: {  	v3 =	vor.u32 v3, v4  }
0x36: {  	v4 =	vperm.xlane v3, v0;
	_ =	sdelay $0x1  }
0x37: {  	v4 =	vadd.s32 v1, v4;
	_ =	sdelay $0x4  }
0x38: {  	[tilespmem:s21], [sflag:$0x2] =	stream.indirect_vreg.gather [hbm4b:s2+s3], $0x80, v4, vm0, $0xb8;
	[tilespmem:$0x8080] =	vst v63  }
0x39: {  	v3 =	vperm.xlane v3, v2  }
0x3a: {  	[tilespmem:s22], [sflag:$0x2] =	stream.indirect_vreg.gather [hbm4b:s4+s3], $0x80, v4, vm0, $0xb8;
	[tilespmem:$0x8080] =	vst v63  }
0x3b: {  	v3 =	vadd.s32 v1, v3  }
0x3c: {  	[tilespmem:s23], [sflag:$0x2] =	stream.indirect_vreg.gather [hbm4b:s5+s3], $0x80, v4, vm0, $0xb8;
	[tilespmem:$0x8080] =	vst v63  }
0x3d: {  	_ = 	snop  }
0x3e: {  	[tilespmem:s24], [sflag:$0x2] =	stream.indirect_vreg.gather [hbm4b:s6+s3], $0x80, v4, vm0, $0xb8;
	[tilespmem:$0x8080] =	vst v63  }
0x3f: {  	_ = 	snop  }
0x40: {  	[tilespmem:s25], [sflag:$0x2] =	stream.indirect_vreg.gather [hbm4b:s2+s3], $0x80, v3, vm0, $0xb8;
	[tilespmem:$0x8080] =	vst v63  }
0x41: {  	_ = 	snop  }
0x42: {  	[tilespmem:s26], [sflag:$0x2] =	stream.indirect_vreg.gather [hbm4b:s4+s3], $0x80, v3, vm0, $0xb8;
	[tilespmem:$0x8080] =	vst v63  }
0x43: {  	_ = 	snop  }
0x44: {  	[tilespmem:s28], [sflag:$0x2] =	stream.indirect_vreg.gather [hbm4b:s5+s3], $0x80, v3, vm0, $0xb8;
	[tilespmem:$0x8080] =	vst v63  }
0x45: {  	_ = 	snop  }
0x46: {  	[tilespmem:s29], [sflag:$0x2] =	stream.indirect_vreg.gather [hbm4b:s6+s3], $0x80, v3, vm0, $0xb8;
	[tilespmem:$0x8080] =	vst v63  }
0x47: {  	s0 =	rddreg [dreg:$0x4]  }
0x48: {  	[hbm4b:s0+s3] =	stream.linear.scatter [tilespmem:s12], [sflag:$0x3], $0x4000, $0x38;
	[tilespmem:$0x8080] =	vst v63  }
0x49: {  	_ =	swait.ge [sflag:s30], $0x4000  }
0x4a: {  	[sflag:s30] =	ssyncset.done $0x0  }
0x4b: {  	[sflag:s30] =	ssyncadd.s32 $0xFFFFC000  }
0x4c: {  	_ =	swait.ge [sflag:s31], $0x4000  }
0x4d: {  	[sflag:s31] =	ssyncset.done $0x0  }
0x4e: {  	[sflag:s31] =	ssyncadd.s32 $0xFFFFC000  }
0x4f: {  	v3 =	vld [tilespmem:$0x20];
	_ =	sdelay $0x4  }
0x50: {  	v58 =	vshll.u32 v3, $0x3  }
0x51: {  	v3 =	vand.u32 $0x7, v3;
	v4 =	vand.u32 $0xFFFFFFC0, v58  }
0x52: {  	v3 =	vor.u32 v3, v4  }
0x53: {  	v4 =	vperm.xlane v3, v0;
	_ =	sdelay $0x1  }
0x54: {  	v4 =	vadd.s32 v1, v4;
	_ =	sdelay $0x4  }
0x55: {  	[tilespmem:s12], [sflag:$0x1] =	stream.indirect_vreg.gather [hbm4b:s2+s3], $0x80, v4, vm0, $0xb8;
	[tilespmem:$0x8080] =	vst v63  }
0x56: {  	v3 =	vperm.xlane v3, v2  }
0x57: {  	[tilespmem:s13], [sflag:$0x1] =	stream.indirect_vreg.gather [hbm4b:s4+s3], $0x80, v4, vm0, $0xb8;
	[tilespmem:$0x8080] =	vst v63  }
0x58: {  	v3 =	vadd.s32 v1, v3  }
0x59: {  	[tilespmem:s14], [sflag:$0x1] =	stream.indirect_vreg.gather [hbm4b:s5+s3], $0x80, v4, vm0, $0xb8;
	[tilespmem:$0x8080] =	vst v63  }
0x5a: {  	_ = 	snop  }
0x5b: {  	[tilespmem:s15], [sflag:$0x1] =	stream.indirect_vreg.gather [hbm4b:s6+s3], $0x80, v4, vm0, $0xb8;
	[tilespmem:$0x8080] =	vst v63  }
0x5c: {  	_ = 	snop  }
0x5d: {  	[tilespmem:s16], [sflag:$0x1] =	stream.indirect_vreg.gather [hbm4b:s2+s3], $0x80, v3, vm0, $0xb8;
	[tilespmem:$0x8080] =	vst v63  }
0x5e: {  	_ = 	snop  }
0x5f: {  	[tilespmem:s17], [sflag:$0x1] =	stream.indirect_vreg.gather [hbm4b:s4+s3], $0x80, v3, vm0, $0xb8;
	[tilespmem:$0x8080] =	vst v63  }
0x60: {  	_ = 	snop  }
0x61: {  	[tilespmem:s18], [sflag:$0x1] =	stream.indirect_vreg.gather [hbm4b:s5+s3], $0x80, v3, vm0, $0xb8;
	[tilespmem:$0x8080] =	vst v63  }
0x62: {  	_ = 	snop  }
0x63: {  	[tilespmem:s19], [sflag:$0x1] =	stream.indirect_vreg.gather [hbm4b:s6+s3], $0x80, v3, vm0, $0xb8;
	[tilespmem:$0x8080] =	vst v63  }
0x64: {  	s0 =	rddreg [dreg:$0x5]  }
0x65: {  	[hbm4b:s0+s3] =	stream.linear.scatter [tilespmem:s21], [sflag:$0x4], $0x4000, $0x38;
	[tilespmem:$0x8080] =	vst v63  }
0x66: {  	_ =	swait.ge [sflag:s20], $0x4000  }
0x67: {  	[sflag:s20] =	ssyncset.done $0x0  }
0x68: {  	[sflag:s20] =	ssyncadd.s32 $0xFFFFC000  }
0x69: {  	_ =	swait.ge [sflag:s1], $0x4000  }
0x6a: {  	[sflag:s1] =	ssyncset.done $0x0  }
0x6b: {  	[sflag:s1] =	ssyncadd.s32 $0xFFFFC000  }
0x6c: {  	v3 =	vld [tilespmem:$0x30];
	_ =	sdelay $0x4  }
0x6d: {  	v59 =	vshll.u32 v3, $0x3  }
0x6e: {  	v3 =	vand.u32 $0x7, v3;
	v4 =	vand.u32 $0xFFFFFFC0, v59  }
0x6f: {  	v3 =	vor.u32 v3, v4  }
0x70: {  	v4 =	vperm.xlane v3, v0;
	_ =	sdelay $0x1  }
0x71: {  	v4 =	vadd.s32 v1, v4;
	_ =	sdelay $0x4  }
0x72: {  	[tilespmem:s21], [sflag:$0x2] =	stream.indirect_vreg.gather [hbm4b:s2+s3], $0x80, v4, vm0, $0xb8;
	[tilespmem:$0x8080] =	vst v63  }
0x73: {  	v3 =	vperm.xlane v3, v2  }
0x74: {  	[tilespmem:s22], [sflag:$0x2] =	stream.indirect_vreg.gather [hbm4b:s4+s3], $0x80, v4, vm0, $0xb8;
	[tilespmem:$0x8080] =	vst v63  }
0x75: {  	v3 =	vadd.s32 v1, v3  }
0x76: {  	[tilespmem:s23], [sflag:$0x2] =	stream.indirect_vreg.gather [hbm4b:s5+s3], $0x80, v4, vm0, $0xb8;
	[tilespmem:$0x8080] =	vst v63  }
0x77: {  	_ = 	snop  }
0x78: {  	[tilespmem:s24], [sflag:$0x2] =	stream.indirect_vreg.gather [hbm4b:s6+s3], $0x80, v4, vm0, $0xb8;
	[tilespmem:$0x8080] =	vst v63  }
0x79: {  	_ = 	snop  }
0x7a: {  	[tilespmem:s25], [sflag:$0x2] =	stream.indirect_vreg.gather [hbm4b:s2+s3], $0x80, v3, vm0, $0xb8;
	[tilespmem:$0x8080] =	vst v63  }
0x7b: {  	_ = 	snop  }
0x7c: {  	[tilespmem:s26], [sflag:$0x2] =	stream.indirect_vreg.gather [hbm4b:s4+s3], $0x80, v3, vm0, $0xb8;
	[tilespmem:$0x8080] =	vst v63  }
0x7d: {  	_ = 	snop  }
0x7e: {  	[tilespmem:s28], [sflag:$0x2] =	stream.indirect_vreg.gather [hbm4b:s5+s3], $0x80, v3, vm0, $0xb8;
	[tilespmem:$0x8080] =	vst v63  }
0x7f: {  	_ = 	snop  }
0x80: {  	[tilespmem:s29], [sflag:$0x2] =	stream.indirect_vreg.gather [hbm4b:s6+s3], $0x80, v3, vm0, $0xb8;
	[tilespmem:$0x8080] =	vst v63  }
0x81: {  	s0 =	rddreg [dreg:$0x6]  }
0x82: {  	[hbm4b:s0+s3] =	stream.linear.scatter [tilespmem:s12], [sflag:$0x3], $0x4000, $0x38;
	[tilespmem:$0x8080] =	vst v63  }
0x83: {  	_ =	swait.ge [sflag:s30], $0x4000  }
0x84: {  	[sflag:s30] =	ssyncset.done $0x0  }
0x85: {  	[sflag:s30] =	ssyncadd.s32 $0xFFFFC000  }
0x86: {  	_ =	swait.ge [sflag:s31], $0x4000  }
0x87: {  	[sflag:s31] =	ssyncset.done $0x0  }
0x88: {  	[sflag:s31] =	ssyncadd.s32 $0xFFFFC000  }
0x89: {  	v3 =	vld [tilespmem:$0x40];
	_ =	sdelay $0x4  }
0x8a: {  	v60 =	vshll.u32 v3, $0x3  }
0x8b: {  	v3 =	vand.u32 $0x7, v3;
	v4 =	vand.u32 $0xFFFFFFC0, v60  }
0x8c: {  	v3 =	vor.u32 v3, v4  }
0x8d: {  	v4 =	vperm.xlane v3, v0;
	_ =	sdelay $0x1  }
0x8e: {  	v4 =	vadd.s32 v1, v4;
	_ =	sdelay $0x4  }
0x8f: {  	[tilespmem:s12], [sflag:$0x1] =	stream.indirect_vreg.gather [hbm4b:s2+s3], $0x80, v4, vm0, $0xb8;
	[tilespmem:$0x8080] =	vst v63  }
0x90: {  	v3 =	vperm.xlane v3, v2  }
0x91: {  	[tilespmem:s13], [sflag:$0x1] =	stream.indirect_vreg.gather [hbm4b:s4+s3], $0x80, v4, vm0, $0xb8;
	[tilespmem:$0x8080] =	vst v63  }
0x92: {  	v3 =	vadd.s32 v1, v3  }
0x93: {  	[tilespmem:s14], [sflag:$0x1] =	stream.indirect_vreg.gather [hbm4b:s5+s3], $0x80, v4, vm0, $0xb8;
	[tilespmem:$0x8080] =	vst v63  }
0x94: {  	_ = 	snop  }
0x95: {  	[tilespmem:s15], [sflag:$0x1] =	stream.indirect_vreg.gather [hbm4b:s6+s3], $0x80, v4, vm0, $0xb8;
	[tilespmem:$0x8080] =	vst v63  }
0x96: {  	_ = 	snop  }
0x97: {  	[tilespmem:s16], [sflag:$0x1] =	stream.indirect_vreg.gather [hbm4b:s2+s3], $0x80, v3, vm0, $0xb8;
	[tilespmem:$0x8080] =	vst v63  }
0x98: {  	_ = 	snop  }
0x99: {  	[tilespmem:s17], [sflag:$0x1] =	stream.indirect_vreg.gather [hbm4b:s4+s3], $0x80, v3, vm0, $0xb8;
	[tilespmem:$0x8080] =	vst v63  }
0x9a: {  	_ = 	snop  }
0x9b: {  	[tilespmem:s18], [sflag:$0x1] =	stream.indirect_vreg.gather [hbm4b:s5+s3], $0x80, v3, vm0, $0xb8;
	[tilespmem:$0x8080] =	vst v63  }
0x9c: {  	_ = 	snop  }
0x9d: {  	[tilespmem:s19], [sflag:$0x1] =	stream.indirect_vreg.gather [hbm4b:s6+s3], $0x80, v3, vm0, $0xb8;
	[tilespmem:$0x8080] =	vst v63  }
0x9e: {  	s0 =	rddreg [dreg:$0x7]  }
0x9f: {  	[hbm4b:s0+s3] =	stream.linear.scatter [tilespmem:s21], [sflag:$0x4], $0x4000, $0x38;
	[tilespmem:$0x8080] =	vst v63  }
0xa0: {  	_ =	swait.ge [sflag:s20], $0x4000  }
0xa1: {  	[sflag:s20] =	ssyncset.done $0x0  }
0xa2: {  	[sflag:s20] =	ssyncadd.s32 $0xFFFFC000  }
0xa3: {  	_ =	swait.ge [sflag:s1], $0x4000  }
0xa4: {  	[sflag:s1] =	ssyncset.done $0x0  }
0xa5: {  	[sflag:s1] =	ssyncadd.s32 $0xFFFFC000  }
0xa6: {  	v3 =	vld [tilespmem:$0x50];
	_ =	sdelay $0x4  }
0xa7: {  	v61 =	vshll.u32 v3, $0x3  }
0xa8: {  	v3 =	vand.u32 $0x7, v3;
	v4 =	vand.u32 $0xFFFFFFC0, v61  }
0xa9: {  	v3 =	vor.u32 v3, v4  }
0xaa: {  	v4 =	vperm.xlane v3, v0;
	_ =	sdelay $0x1  }
0xab: {  	v4 =	vadd.s32 v1, v4;
	_ =	sdelay $0x4  }
0xac: {  	[tilespmem:s21], [sflag:$0x2] =	stream.indirect_vreg.gather [hbm4b:s2+s3], $0x80, v4, vm0, $0xb8;
	[tilespmem:$0x8080] =	vst v63  }
0xad: {  	v3 =	vperm.xlane v3, v2  }
0xae: {  	[tilespmem:s22], [sflag:$0x2] =	stream.indirect_vreg.gather [hbm4b:s4+s3], $0x80, v4, vm0, $0xb8;
	[tilespmem:$0x8080] =	vst v63  }
0xaf: {  	v3 =	vadd.s32 v1, v3  }
0xb0: {  	[tilespmem:s23], [sflag:$0x2] =	stream.indirect_vreg.gather [hbm4b:s5+s3], $0x80, v4, vm0, $0xb8;
	[tilespmem:$0x8080] =	vst v63  }
0xb1: {  	_ = 	snop  }
0xb2: {  	[tilespmem:s24], [sflag:$0x2] =	stream.indirect_vreg.gather [hbm4b:s6+s3], $0x80, v4, vm0, $0xb8;
	[tilespmem:$0x8080] =	vst v63  }
0xb3: {  	_ = 	snop  }
0xb4: {  	[tilespmem:s25], [sflag:$0x2] =	stream.indirect_vreg.gather [hbm4b:s2+s3], $0x80, v3, vm0, $0xb8;
	[tilespmem:$0x8080] =	vst v63  }
0xb5: {  	_ = 	snop  }
0xb6: {  	[tilespmem:s26], [sflag:$0x2] =	stream.indirect_vreg.gather [hbm4b:s4+s3], $0x80, v3, vm0, $0xb8;
	[tilespmem:$0x8080] =	vst v63  }
0xb7: {  	_ = 	snop  }
0xb8: {  	[tilespmem:s28], [sflag:$0x2] =	stream.indirect_vreg.gather [hbm4b:s5+s3], $0x80, v3, vm0, $0xb8;
	[tilespmem:$0x8080] =	vst v63  }
0xb9: {  	_ = 	snop  }
0xba: {  	[tilespmem:s29], [sflag:$0x2] =	stream.indirect_vreg.gather [hbm4b:s6+s3], $0x80, v3, vm0, $0xb8;
	[tilespmem:$0x8080] =	vst v63  }
0xbb: {  	s0 =	rddreg [dreg:$0x8]  }
0xbc: {  	[hbm4b:s0+s3] =	stream.linear.scatter [tilespmem:s12], [sflag:$0x3], $0x4000, $0x38;
	[tilespmem:$0x8080] =	vst v63  }
0xbd: {  	_ =	swait.ge [sflag:s30], $0x4000  }
0xbe: {  	[sflag:s30] =	ssyncset.done $0x0  }
0xbf: {  	[sflag:s30] =	ssyncadd.s32 $0xFFFFC000  }
0xc0: {  	_ =	swait.ge [sflag:s31], $0x4000  }
0xc1: {  	[sflag:s31] =	ssyncset.done $0x0  }
0xc2: {  	[sflag:s31] =	ssyncadd.s32 $0xFFFFC000  }
0xc3: {  	v3 =	vld [tilespmem:$0x60];
	_ =	sdelay $0x4  }
0xc4: {  	v62 =	vshll.u32 v3, $0x3  }
0xc5: {  	v3 =	vand.u32 $0x7, v3;
	v4 =	vand.u32 $0xFFFFFFC0, v62  }
0xc6: {  	v3 =	vor.u32 v3, v4  }
0xc7: {  	v4 =	vperm.xlane v3, v0;
	_ =	sdelay $0x1  }
0xc8: {  	v4 =	vadd.s32 v1, v4;
	_ =	sdelay $0x4  }
0xc9: {  	[tilespmem:s12], [sflag:$0x1] =	stream.indirect_vreg.gather [hbm4b:s2+s3], $0x80, v4, vm0, $0xb8;
	[tilespmem:$0x8080] =	vst v63  }
0xca: {  	v3 =	vperm.xlane v3, v2  }
0xcb: {  	[tilespmem:s13], [sflag:$0x1] =	stream.indirect_vreg.gather [hbm4b:s4+s3], $0x80, v4, vm0, $0xb8;
	[tilespmem:$0x8080] =	vst v63  }
0xcc: {  	v3 =	vadd.s32 v1, v3  }
0xcd: {  	[tilespmem:s14], [sflag:$0x1] =	stream.indirect_vreg.gather [hbm4b:s5+s3], $0x80, v4, vm0, $0xb8;
	[tilespmem:$0x8080] =	vst v63  }
0xce: {  	_ = 	snop  }
0xcf: {  	[tilespmem:s15], [sflag:$0x1] =	stream.indirect_vreg.gather [hbm4b:s6+s3], $0x80, v4, vm0, $0xb8;
	[tilespmem:$0x8080] =	vst v63  }
0xd0: {  	_ = 	snop  }
0xd1: {  	[tilespmem:s16], [sflag:$0x1] =	stream.indirect_vreg.gather [hbm4b:s2+s3], $0x80, v3, vm0, $0xb8;
	[tilespmem:$0x8080] =	vst v63  }
0xd2: {  	_ = 	snop  }
0xd3: {  	[tilespmem:s17], [sflag:$0x1] =	stream.indirect_vreg.gather [hbm4b:s4+s3], $0x80, v3, vm0, $0xb8;
	[tilespmem:$0x8080] =	vst v63  }
0xd4: {  	_ = 	snop  }
0xd5: {  	[tilespmem:s18], [sflag:$0x1] =	stream.indirect_vreg.gather [hbm4b:s5+s3], $0x80, v3, vm0, $0xb8;
	[tilespmem:$0x8080] =	vst v63  }
0xd6: {  	_ = 	snop  }
0xd7: {  	[tilespmem:s19], [sflag:$0x1] =	stream.indirect_vreg.gather [hbm4b:s6+s3], $0x80, v3, vm0, $0xb8;
	[tilespmem:$0x8080] =	vst v63  }
0xd8: {  	_ = 	snop  }
0xd9: {  	[hbm4b:s8+s3] =	stream.linear.scatter [tilespmem:s21], [sflag:$0x4], $0x4000, $0x38;
	[tilespmem:$0x8080] =	vst v63  }
0xda: {  	_ =	swait.ge [sflag:s20], $0x4000  }
0xdb: {  	[sflag:s20] =	ssyncset.done $0x0  }
0xdc: {  	[sflag:s20] =	ssyncadd.s32 $0xFFFFC000  }
0xdd: {  	_ =	swait.ge [sflag:s1], $0x4000  }
0xde: {  	[sflag:s1] =	ssyncset.done $0x0  }
0xdf: {  	[sflag:s1] =	ssyncadd.s32 $0xFFFFC000  }
0xe0: {  	v3 =	vld [tilespmem:$0x70];
	_ =	sdelay $0x4  }
0xe1: {  	v63 =	vshll.u32 v3, $0x3  }
0xe2: {  	v3 =	vand.u32 $0x7, v3;
	v4 =	vand.u32 $0xFFFFFFC0, v63  }
0xe3: {  	v3 =	vor.u32 v3, v4  }
0xe4: {  	v4 =	vperm.xlane v3, v0;
	_ =	sdelay $0x1  }
0xe5: {  	v4 =	vadd.s32 v1, v4;
	_ =	sdelay $0x4  }
0xe6: {  	[tilespmem:s21], [sflag:$0x2] =	stream.indirect_vreg.gather [hbm4b:s2+s3], $0x80, v4, vm0, $0xb8;
	[tilespmem:$0x8080] =	vst v63  }
0xe7: {  	v3 =	vperm.xlane v3, v2  }
0xe8: {  	[tilespmem:s22], [sflag:$0x2] =	stream.indirect_vreg.gather [hbm4b:s4+s3], $0x80, v4, vm0, $0xb8;
	[tilespmem:$0x8080] =	vst v63  }
0xe9: {  	v3 =	vadd.s32 v1, v3  }
0xea: {  	[tilespmem:s23], [sflag:$0x2] =	stream.indirect_vreg.gather [hbm4b:s5+s3], $0x80, v4, vm0, $0xb8;
	[tilespmem:$0x8080] =	vst v63  }
0xeb: {  	_ = 	snop  }
0xec: {  	[tilespmem:s24], [sflag:$0x2] =	stream.indirect_vreg.gather [hbm4b:s6+s3], $0x80, v4, vm0, $0xb8;
	[tilespmem:$0x8080] =	vst v63  }
0xed: {  	_ = 	snop  }
0xee: {  	[tilespmem:s25], [sflag:$0x2] =	stream.indirect_vreg.gather [hbm4b:s2+s3], $0x80, v3, vm0, $0xb8;
	[tilespmem:$0x8080] =	vst v63  }
0xef: {  	_ = 	snop  }
0xf0: {  	[tilespmem:s26], [sflag:$0x2] =	stream.indirect_vreg.gather [hbm4b:s4+s3], $0x80, v3, vm0, $0xb8;
	[tilespmem:$0x8080] =	vst v63  }
0xf1: {  	_ = 	snop  }
0xf2: {  	[tilespmem:s28], [sflag:$0x2] =	stream.indirect_vreg.gather [hbm4b:s5+s3], $0x80, v3, vm0, $0xb8;
	[tilespmem:$0x8080] =	vst v63  }
0xf3: {  	_ = 	snop  }
0xf4: {  	[tilespmem:s29], [sflag:$0x2] =	stream.indirect_vreg.gather [hbm4b:s6+s3], $0x80, v3, vm0, $0xb8;
	[tilespmem:$0x8080] =	vst v63  }
0xf5: {  	_ = 	snop  }
0xf6: {  	[hbm4b:s9+s3] =	stream.linear.scatter [tilespmem:s12], [sflag:$0x3], $0x4000, $0x38;
	[tilespmem:$0x8080] =	vst v63  }
0xf7: {  	_ =	swait.ge [sflag:s30], $0x4000  }
0xf8: {  	[sflag:s30] =	ssyncset.done $0x0  }
0xf9: {  	[sflag:s30] =	ssyncadd.s32 $0xFFFFC000  }
0xfa: {  	_ =	swait.ge [sflag:s31], $0x4000  }
0xfb: {  	p0 =	sne.s32 s7, $0x1;
	[sflag:s31] =	ssyncset.done $0x0  }
.Ltmp0:
0xfc: {  	[sflag:s31] =	ssyncadd.s32 $0xFFFFC000;
	(pc) =	sbr.rel @p0 .LBB2_1-.Ltmp0, $4  }
0xfd: {  	[hbm4b:s10+s3] =	stream.linear.scatter [tilespmem:s21], [sflag:$0x4], $0x4000, $0x38;
	[tilespmem:$0x8080] =	vst v63  }
0xfe: {  	_ =	swait.ge [sflag:s1], $0x4000  }
0xff: {  	[sflag:s1] =	ssyncset.done $0x0  }
0x100: {  	s7 =	sadd.s32 $0xFFFFFFFF, s7;
	[sflag:s1] =	ssyncadd.s32 $0xFFFFC000  }
0x101: {  	_ =	sfence.sel $0x180000  }
0x102: {  	[bflag:$0x0] =	sbarrier.arrive $0xFFFF  }
0x103: {  	_ =	strace $0x9000004A  }
0x104: {  	s0 =	stileid.u32;
	[bflag:$0x2] =	sbarrier.arrive $0xFFFF  }
0x105: {  	p0 =	sne.s32 s0, $0x0;
	s0 =	rddreg [dreg:$0x2]  }
0x106: {  	s0 =	sadd.s32 @!p0 $0x100000, s0  }
0x107: {  	[sflag:s0] =	ssyncadd.tile.s32 @!p0 $0x1;
	_ =	shalt  }
.Lfunc_end2:
_tile_overlayer_lowered:
.L_overlay_start_2:
0x108: {  	(tag) =	ssettag $0x2  }
0x109: {  	s0 =	rddreg [dreg:$0x0];
	s2 =	stileid.u32  }
0x10a: {  	s1 =	rddreg [dreg:$0x1];
	p0 =	sne.s32 s2, $0x0  }
0x10b: {  	s3 =	rddreg [dreg:$0x2];
	[bflag:$0x3] =	sbarrier.arrive $0xFFFF;
	s2 =	simm.s32 @!p0 $0x1C05  }
0x10c: {  	[timem:s3], [sflag:s2] =	dma.local @!p0 [hbm:s0], s1  }
0x10d: {  	s0 =	simm.s32 @!p0 $0x5  }
0x10e: {  	_ =	swait.ge @!p0 [sflag:s0], s1  }
0x10f: {  	s1 =	ssub.s32 @!p0 $0x0, s1;
	[sflag:s0] =	ssyncset.done @!p0 $0x0  }
0x110: {  	[sflag:s0] =	ssyncadd.s32 @!p0 s1  }
0x111: {  	[bflag:$0x3] =	sbarrier.arrive $0xFFFF  }
0x112: {  	_ =	shalt  }

</sc_bundles>
